<compile_context>
chip_gen: v7x
topology: tpu7x:2x2x1
jax: 0.10.2.dev20260603
libtpu: 0.0.44.dev20260713+nightly
codegen_flags: <defaults>
</compile_context>

<pallas_src>
import functools

import jax
import jax.numpy as jnp
from jax import lax
from jax.experimental import pallas as pl
from jax.experimental.pallas import tpu as pltpu
from jax.experimental.pallas import tpu_sc as plsc

N = 100000
D = 128
V = 1000
C = 160
NCHUNKS = N // C
NW = 32
NC_BASE = NCHUNKS // NW
EXTRA = NCHUNKS - NC_BASE * NW
MAXC = NC_BASE + 1
NBUF = 4
LOOKAHEAD = 2


def kernel(x, embedding_weight):
    idx = x.astype(jnp.int32)
    mesh = plsc.VectorSubcoreMesh(core_axis_name="c", subcore_axis_name="s")

    @functools.partial(
        pl.kernel,
        mesh=mesh,
        out_type=jax.ShapeDtypeStruct((N, D), jnp.float32),
        scratch_types=[
            pltpu.VMEM((MAXC * C,), jnp.int32),
            pltpu.VMEM((NBUF, C, D), jnp.float32),
            pltpu.VMEM_SHARED((V, D), jnp.float32),
            pltpu.SemaphoreType.DMA,
            pltpu.SemaphoreType.DMA,
        ],
    )
    def emb(idx_hbm, table_hbm, out_hbm, idx_v, rows_v, table_sp, sem_g, sem_w):
        cid = lax.axis_index("c")
        sid = lax.axis_index("s")
        w = sid * 2 + cid
        nc = NC_BASE + jnp.where(w < EXTRA, 1, 0)
        s0 = NC_BASE * w + jnp.minimum(w, EXTRA)
        base = pl.multiple_of(s0 * C, 8)

        @pl.when(sid == 0)
        def _():
            pltpu.sync_copy(table_hbm, table_sp)

        pltpu.sync_copy(idx_hbm.at[pl.ds(base, NC_BASE * C)],
                        idx_v.at[pl.ds(0, NC_BASE * C)])

        @pl.when(nc > NC_BASE)
        def _():
            pltpu.sync_copy(
                idx_hbm.at[pl.ds(pl.multiple_of((s0 + NC_BASE) * C, 8), C)],
                idx_v.at[pl.ds(NC_BASE * C, C)])

        plsc.subcore_barrier()

        def chunk_idx(j):
            return idx_v.at[pl.ds(pl.multiple_of(j * C, 8), C)]

        def issue_gather(j):
            pltpu.async_copy(table_sp.at[chunk_idx(j)],
                             rows_v.at[j % NBUF], sem_g)

        def wait_gather(j):
            pltpu.make_async_copy(table_sp.at[chunk_idx(j)],
                                  rows_v.at[j % NBUF], sem_g).wait()

        def issue_wb(j):
            pltpu.async_copy(rows_v.at[j % NBUF],
                             out_hbm.at[pl.ds((s0 + j) * C, C)], sem_w)

        def wait_one_wb():
            pltpu.make_async_copy(rows_v.at[0],
                                  out_hbm.at[pl.ds(s0 * C, C)], sem_w).wait()

        for j in range(LOOKAHEAD):
            issue_gather(j)

        def warm(j, carry):
            wait_gather(j)
            issue_wb(j)
            issue_gather(j + LOOKAHEAD)
            return carry

        lax.fori_loop(0, NBUF - LOOKAHEAD, warm, 0, unroll=True)

        def steady(j, carry):
            wait_one_wb()
            wait_gather(j)
            issue_wb(j)
            issue_gather(j + LOOKAHEAD)
            return carry

        lax.fori_loop(NBUF - LOOKAHEAD, nc - LOOKAHEAD, steady, 0)

        def cool(j, carry):
            wait_gather(j)
            issue_wb(j)
            return carry

        lax.fori_loop(nc - LOOKAHEAD, nc, cool, 0)

        for _ in range(NBUF):
            wait_one_wb()

    return emb(idx, embedding_weight)

# --- scband reference (transcript-rebuilt; emitter-appended) ---
"""Pipeline reference for scband-atom-embedding-51135880626672 (READ-ONLY COPY).

The authoritative reference and input builder live on the scoring server;
editing this copy changes nothing except your own understanding.
"""

import jax, jax.numpy as jnp
import numpy as np
import math

NUM_ELEMENTS = 1000
NUM_FEATURES = 128
N_ATOMS = 100000


def setup_inputs(seed: int = 0) -> dict:
    key = jax.random.key(seed)
    k_idx, k_emb = jax.random.split(key)
    x = jax.random.randint(k_idx, (N_ATOMS,), 0, NUM_ELEMENTS, dtype=jnp.int64 if jax.config.jax_enable_x64 else jnp.int32)
    # nn.init.uniform_(weight, a=-sqrt(3), b=sqrt(3))
    s = math.sqrt(3.0)
    embedding_weight = jax.random.uniform(k_emb, (NUM_ELEMENTS, NUM_FEATURES), dtype=jnp.float32, minval=-s, maxval=s)
    return {"x": x, "embedding_weight": embedding_weight}


def reference(x, embedding_weight):
    # periodic_table is None, so forward is a plain embedding lookup
    return jnp.take(embedding_weight, x, axis=0)

if __name__ == "__main__":
    import jax
    _d = setup_inputs()
    print(jax.jit(kernel)(*tuple(_d.values())))

</pallas_src>

<mosaic_0001>
#map = affine_map<(d0, d1) -> (0)>
#map1 = affine_map<(d0, d1) -> (0, 0)>
module attributes {stable_mosaic.version = 14 : i64} {
  func.func @emb(%arg0: i32, %arg1: i32, %arg2: memref<100000xi32, #tpu.memory_space<hbm>>, %arg3: memref<1000x128xf32, #tpu.memory_space<hbm>>, %arg4: memref<100000x128xf32, #tpu.memory_space<hbm>>, %arg5: memref<3200xi32, #tpu.memory_space<vmem>>, %arg6: memref<4x160x128xf32, #tpu.memory_space<vmem>>, %arg7: memref<1000x128xf32, #tpu.memory_space<vmem_shared>>, %arg8: memref<!tpu.dma_semaphore, #tpu.memory_space<semaphore_mem>>, %arg9: memref<!tpu.dma_semaphore, #tpu.memory_space<semaphore_mem>>) attributes {dimension_semantics = [#tpu.dimension_semantics<core_parallel>, #tpu.dimension_semantics<subcore_parallel>], iteration_bounds = array<i64: 2, 16>, scalar_prefetch = 0 : i64, scratch_operands = 5 : i64, tpu.core_type = #tpu.core_type<sc_vector_subcore>, window_params = [{transform_indices = #map}, {transform_indices = #map1}, {transform_indices = #map1}]} {
    %mul3A = arith.constant 2 : i32
    %mul3A_0 = arith.muli %arg1, %mul3A : i32
    %add3A = arith.addi %mul3A_0, %arg0 : i32
    %lt3A = arith.constant 17 : i32
    %lt3A_1 = arith.cmpi slt, %add3A, %lt3A : i32
    %jit3A = arith.constant 1 : i32
    %jit3A_2 = arith.constant 0 : i32
    %select_n3A = arith.select %lt3A_1, %jit3A, %jit3A_2 : i32
    %add3A_3 = arith.constant 19 : i32
    %add3A_4 = arith.addi %add3A_3, %select_n3A : i32
    %mul3A_5 = arith.constant 19 : i32
    %mul3A_6 = arith.muli %mul3A_5, %add3A : i32
    %min3A = arith.constant 17 : i32
    %min3A_7 = arith.minsi %add3A, %min3A : i32
    %add3A_8 = arith.addi %mul3A_6, %min3A_7 : i32
    %mul3A_9 = arith.constant 160 : i32
    %mul3A_10 = arith.muli %add3A_8, %mul3A_9 : i32
    %multiple_of3A = tpu.assume_multiple %mul3A_10, 8 : i32
    %eq3A = arith.constant 0 : i32
    %eq3A_11 = arith.cmpi eq, %arg1, %eq3A : i32
    %convert_element_type3A = arith.extui %eq3A_11 : i1 to i32
    %cond3A = arith.constant 0 : i32
    %cond3A_12 = arith.cmpi ne, %convert_element_type3A, %cond3A : i32
    scf.if %cond3A_12 {
      "tpu.region"() ({
        %run_scoped3A = tpu.sem_alloc : memref<!tpu.dma_semaphore, #tpu.memory_space<semaphore_mem>>
        tpu.enqueue_dma source(%arg3 : memref<1000x128xf32, #tpu.memory_space<hbm>>) target(%arg7 : memref<1000x128xf32, #tpu.memory_space<vmem_shared>>) target_semaphore(%run_scoped3A : memref<!tpu.dma_semaphore, #tpu.memory_space<semaphore_mem>>)
        tpu.wait_dma2 semaphore(%run_scoped3A : memref<!tpu.dma_semaphore, #tpu.memory_space<semaphore_mem>>) src(%arg3 : memref<1000x128xf32, #tpu.memory_space<hbm>>) dst(%arg7 : memref<1000x128xf32, #tpu.memory_space<vmem_shared>>)
        tpu.yield
      }) : () -> ()
    } else {
    }
    "tpu.region"() ({
      %run_scoped3A = tpu.sem_alloc : memref<!tpu.dma_semaphore, #tpu.memory_space<semaphore_mem>>
      %dma_start3A_292 = arith.constant 0 : i32
      %dma_start3A_293 = tpu.memref_slice %arg5[%dma_start3A_292] : memref<3200xi32, #tpu.memory_space<vmem>> -> memref<3040xi32, #tpu.memory_space<vmem>>
      %dma_start3A_294 = tpu.memref_slice %arg2[%multiple_of3A] : memref<100000xi32, #tpu.memory_space<hbm>> -> memref<3040xi32, #tpu.memory_space<hbm>>
      %dma_start3A_295 = arith.constant 0 : i32
      %dma_start3A_296 = tpu.memref_slice %arg5[%dma_start3A_295] : memref<3200xi32, #tpu.memory_space<vmem>> -> memref<3040xi32, #tpu.memory_space<vmem>>
      %dma_start3A_297 = tpu.memref_slice %arg2[%multiple_of3A] : memref<100000xi32, #tpu.memory_space<hbm>> -> memref<3040xi32, #tpu.memory_space<hbm>>
      tpu.enqueue_dma source(%dma_start3A_297 : memref<3040xi32, #tpu.memory_space<hbm>>) target(%dma_start3A_296 : memref<3040xi32, #tpu.memory_space<vmem>>) target_semaphore(%run_scoped3A : memref<!tpu.dma_semaphore, #tpu.memory_space<semaphore_mem>>)
      %dma_wait3A_298 = arith.constant 0 : i32
      %dma_wait3A_299 = tpu.memref_slice %arg5[%dma_wait3A_298] : memref<3200xi32, #tpu.memory_space<vmem>> -> memref<3040xi32, #tpu.memory_space<vmem>>
      %dma_wait3A_300 = tpu.memref_slice %arg2[%multiple_of3A] : memref<100000xi32, #tpu.memory_space<hbm>> -> memref<3040xi32, #tpu.memory_space<hbm>>
      %dma_wait3A_301 = arith.constant 0 : i32
      %dma_wait3A_302 = tpu.memref_slice %arg5[%dma_wait3A_301] : memref<3200xi32, #tpu.memory_space<vmem>> -> memref<3040xi32, #tpu.memory_space<vmem>>
      %dma_wait3A_303 = tpu.memref_slice %arg2[%multiple_of3A] : memref<100000xi32, #tpu.memory_space<hbm>> -> memref<3040xi32, #tpu.memory_space<hbm>>
      tpu.wait_dma2 semaphore(%run_scoped3A : memref<!tpu.dma_semaphore, #tpu.memory_space<semaphore_mem>>) src(%dma_wait3A_303 : memref<3040xi32, #tpu.memory_space<hbm>>) dst(%dma_wait3A_302 : memref<3040xi32, #tpu.memory_space<vmem>>)
      tpu.yield
    }) : () -> ()
    %gt3A = arith.constant 19 : i32
    %gt3A_13 = arith.cmpi sgt, %add3A_4, %gt3A : i32
    %convert_element_type3A_14 = arith.extui %gt3A_13 : i1 to i32
    %cond3A_15 = arith.constant 0 : i32
    %cond3A_16 = arith.cmpi ne, %convert_element_type3A_14, %cond3A_15 : i32
    scf.if %cond3A_16 {
      %add3A_292 = arith.constant 19 : i32
      %add3A_293 = arith.addi %add3A_8, %add3A_292 : i32
      %mul3A_294 = arith.constant 160 : i32
      %mul3A_295 = arith.muli %add3A_293, %mul3A_294 : i32
      %multiple_of3A_296 = tpu.assume_multiple %mul3A_295, 8 : i32
      "tpu.region"() ({
        %run_scoped3A = tpu.sem_alloc : memref<!tpu.dma_semaphore, #tpu.memory_space<semaphore_mem>>
        %dma_start3A_297 = arith.constant 3040 : i32
        %dma_start3A_298 = tpu.memref_slice %arg5[%dma_start3A_297] : memref<3200xi32, #tpu.memory_space<vmem>> -> memref<160xi32, #tpu.memory_space<vmem>>
        %dma_start3A_299 = tpu.memref_slice %arg2[%multiple_of3A_296] : memref<100000xi32, #tpu.memory_space<hbm>> -> memref<160xi32, #tpu.memory_space<hbm>>
        %dma_start3A_300 = arith.constant 3040 : i32
        %dma_start3A_301 = tpu.memref_slice %arg5[%dma_start3A_300] : memref<3200xi32, #tpu.memory_space<vmem>> -> memref<160xi32, #tpu.memory_space<vmem>>
        %dma_start3A_302 = tpu.memref_slice %arg2[%multiple_of3A_296] : memref<100000xi32, #tpu.memory_space<hbm>> -> memref<160xi32, #tpu.memory_space<hbm>>
        tpu.enqueue_dma source(%dma_start3A_302 : memref<160xi32, #tpu.memory_space<hbm>>) target(%dma_start3A_301 : memref<160xi32, #tpu.memory_space<vmem>>) target_semaphore(%run_scoped3A : memref<!tpu.dma_semaphore, #tpu.memory_space<semaphore_mem>>)
        %dma_wait3A_303 = arith.constant 3040 : i32
        %dma_wait3A_304 = tpu.memref_slice %arg5[%dma_wait3A_303] : memref<3200xi32, #tpu.memory_space<vmem>> -> memref<160xi32, #tpu.memory_space<vmem>>
        %dma_wait3A_305 = tpu.memref_slice %arg2[%multiple_of3A_296] : memref<100000xi32, #tpu.memory_space<hbm>> -> memref<160xi32, #tpu.memory_space<hbm>>
        %dma_wait3A_306 = arith.constant 3040 : i32
        %dma_wait3A_307 = tpu.memref_slice %arg5[%dma_wait3A_306] : memref<3200xi32, #tpu.memory_space<vmem>> -> memref<160xi32, #tpu.memory_space<vmem>>
        %dma_wait3A_308 = tpu.memref_slice %arg2[%multiple_of3A_296] : memref<100000xi32, #tpu.memory_space<hbm>> -> memref<160xi32, #tpu.memory_space<hbm>>
        tpu.wait_dma2 semaphore(%run_scoped3A : memref<!tpu.dma_semaphore, #tpu.memory_space<semaphore_mem>>) src(%dma_wait3A_308 : memref<160xi32, #tpu.memory_space<hbm>>) dst(%dma_wait3A_307 : memref<160xi32, #tpu.memory_space<vmem>>)
        tpu.yield
      }) : () -> ()
    } else {
    }
    %barrier3A = arith.constant 0 : index
    tpu.barrier barrier_id(%barrier3A)
    %multiple_of3A_17 = arith.constant 0 : i32
    %multiple_of3A_18 = tpu.assume_multiple %multiple_of3A_17, 8 : i32
    %dma_start3A = arith.constant 0 : i32
    %dma_start3A_19 = arith.constant 0 : i32
    %dma_start3A_20 = arith.constant 0 : i32
    %dma_start3A_21 = tpu.memref_slice %arg6[%dma_start3A, %dma_start3A_19, %dma_start3A_20] : memref<4x160x128xf32, #tpu.memory_space<vmem>> -> memref<1x160x128xf32, #tpu.memory_space<vmem>>
    %dma_start3A_22 = tpu.memref_squeeze %dma_start3A_21 : memref<1x160x128xf32, #tpu.memory_space<vmem>> -> memref<160x128xf32, #tpu.memory_space<vmem>>
    %dma_start3A_23 = tpu.memref_slice %arg5[%multiple_of3A_18] : memref<3200xi32, #tpu.memory_space<vmem>> -> memref<160xi32, #tpu.memory_space<vmem>>
    %dma_start3A_24 = arith.constant 0 : i32
    %dma_start3A_25 = arith.constant 0 : i32
    %dma_start3A_26 = tpu.memref_slice %arg7[%dma_start3A_24, %dma_start3A_25] : memref<1000x128xf32, #tpu.memory_space<vmem_shared>> -> memref<1000x128xf32, #tpu.memory_space<vmem_shared>>
    tpu.enqueue_indirect_dma source(%dma_start3A_26 : memref<1000x128xf32, #tpu.memory_space<vmem_shared>>) target(%dma_start3A_22 : memref<160x128xf32, #tpu.memory_space<vmem>>) offsets(%dma_start3A_23 : memref<160xi32, #tpu.memory_space<vmem>>) semaphore(%arg8 : memref<!tpu.dma_semaphore, #tpu.memory_space<semaphore_mem>>)
    %multiple_of3A_27 = arith.constant 160 : i32
    %multiple_of3A_28 = tpu.assume_multiple %multiple_of3A_27, 8 : i32
    %dma_start3A_29 = arith.constant 1 : i32
    %dma_start3A_30 = arith.constant 0 : i32
    %dma_start3A_31 = arith.constant 0 : i32
    %dma_start3A_32 = tpu.memref_slice %arg6[%dma_start3A_29, %dma_start3A_30, %dma_start3A_31] : memref<4x160x128xf32, #tpu.memory_space<vmem>> -> memref<1x160x128xf32, #tpu.memory_space<vmem>>
    %dma_start3A_33 = tpu.memref_squeeze %dma_start3A_32 : memref<1x160x128xf32, #tpu.memory_space<vmem>> -> memref<160x128xf32, #tpu.memory_space<vmem>>
    %dma_start3A_34 = tpu.memref_slice %arg5[%multiple_of3A_28] : memref<3200xi32, #tpu.memory_space<vmem>> -> memref<160xi32, #tpu.memory_space<vmem>>
    %dma_start3A_35 = arith.constant 0 : i32
    %dma_start3A_36 = arith.constant 0 : i32
    %dma_start3A_37 = tpu.memref_slice %arg7[%dma_start3A_35, %dma_start3A_36] : memref<1000x128xf32, #tpu.memory_space<vmem_shared>> -> memref<1000x128xf32, #tpu.memory_space<vmem_shared>>
    tpu.enqueue_indirect_dma source(%dma_start3A_37 : memref<1000x128xf32, #tpu.memory_space<vmem_shared>>) target(%dma_start3A_33 : memref<160x128xf32, #tpu.memory_space<vmem>>) offsets(%dma_start3A_34 : memref<160xi32, #tpu.memory_space<vmem>>) semaphore(%arg8 : memref<!tpu.dma_semaphore, #tpu.memory_space<semaphore_mem>>)
    %scan3A = arith.constant 0 : i32
    %scan3A_38 = arith.constant 0 : i32
    %mul3A_39 = arith.constant 160 : i32
    %mul3A_40 = arith.muli %scan3A_38, %mul3A_39 : i32
    %multiple_of3A_41 = tpu.assume_multiple %mul3A_40, 8 : i32
    %jit3A_42 = arith.constant 4 : i32
    %eq3A_43 = arith.constant 0 : i32
    %eq3A_44 = arith.cmpi eq, %jit3A_42, %eq3A_43 : i32
    %jit3A_45 = arith.constant 1 : i32
    %select_n3A_46 = arith.select %eq3A_44, %jit3A_45, %jit3A_42 : i32
    %rem3A = arith.remsi %scan3A_38, %select_n3A_46 : i32
    %ne3A = arith.constant 0 : i32
    %ne3A_47 = arith.cmpi ne, %rem3A, %ne3A : i32
    %lt3A_48 = arith.constant 0 : i32
    %lt3A_49 = arith.cmpi slt, %rem3A, %lt3A_48 : i32
    %lt3A_50 = arith.constant 0 : i32
    %lt3A_51 = arith.cmpi slt, %select_n3A_46, %lt3A_50 : i32
    %ne3A_52 = arith.xori %lt3A_49, %lt3A_51 : i1
    %and3A = arith.andi %ne3A_52, %ne3A_47 : i1
    %add3A_53 = arith.addi %rem3A, %select_n3A_46 : i32
    %select_n3A_54 = arith.select %and3A, %add3A_53, %rem3A : i32
    %dma_wait3A = arith.constant 0 : i32
    %dma_wait3A_55 = arith.constant 0 : i32
    %dma_wait3A_56 = tpu.memref_slice %arg6[%select_n3A_54, %dma_wait3A, %dma_wait3A_55] : memref<4x160x128xf32, #tpu.memory_space<vmem>> -> memref<1x160x128xf32, #tpu.memory_space<vmem>>
    %dma_wait3A_57 = tpu.memref_squeeze %dma_wait3A_56 : memref<1x160x128xf32, #tpu.memory_space<vmem>> -> memref<160x128xf32, #tpu.memory_space<vmem>>
    %dma_wait3A_58 = tpu.memref_slice %arg5[%multiple_of3A_41] : memref<3200xi32, #tpu.memory_space<vmem>> -> memref<160xi32, #tpu.memory_space<vmem>>
    %dma_wait3A_59 = arith.constant 0 : i32
    %dma_wait3A_60 = arith.constant 0 : i32
    %dma_wait3A_61 = tpu.memref_slice %arg7[%dma_wait3A_59, %dma_wait3A_60] : memref<1000x128xf32, #tpu.memory_space<vmem_shared>> -> memref<1000x128xf32, #tpu.memory_space<vmem_shared>>
    tpu.wait_indirect_dma semaphore(%arg8 : memref<!tpu.dma_semaphore, #tpu.memory_space<semaphore_mem>>) src(%dma_wait3A_61 : memref<1000x128xf32, #tpu.memory_space<vmem_shared>>) dst(%dma_wait3A_57 : memref<160x128xf32, #tpu.memory_space<vmem>>)
    %jit3A_62 = arith.constant 4 : i32
    %eq3A_63 = arith.constant 0 : i32
    %eq3A_64 = arith.cmpi eq, %jit3A_62, %eq3A_63 : i32
    %jit3A_65 = arith.constant 1 : i32
    %select_n3A_66 = arith.select %eq3A_64, %jit3A_65, %jit3A_62 : i32
    %rem3A_67 = arith.remsi %scan3A_38, %select_n3A_66 : i32
    %ne3A_68 = arith.constant 0 : i32
    %ne3A_69 = arith.cmpi ne, %rem3A_67, %ne3A_68 : i32
    %lt3A_70 = arith.constant 0 : i32
    %lt3A_71 = arith.cmpi slt, %rem3A_67, %lt3A_70 : i32
    %lt3A_72 = arith.constant 0 : i32
    %lt3A_73 = arith.cmpi slt, %select_n3A_66, %lt3A_72 : i32
    %ne3A_74 = arith.xori %lt3A_71, %lt3A_73 : i1
    %and3A_75 = arith.andi %ne3A_74, %ne3A_69 : i1
    %add3A_76 = arith.addi %rem3A_67, %select_n3A_66 : i32
    %select_n3A_77 = arith.select %and3A_75, %add3A_76, %rem3A_67 : i32
    %add3A_78 = arith.addi %add3A_8, %scan3A_38 : i32
    %mul3A_79 = arith.constant 160 : i32
    %mul3A_80 = arith.muli %add3A_78, %mul3A_79 : i32
    %dma_start3A_81 = arith.constant 0 : i32
    %dma_start3A_82 = arith.constant 0 : i32
    %dma_start3A_83 = tpu.memref_slice %arg6[%select_n3A_77, %dma_start3A_81, %dma_start3A_82] : memref<4x160x128xf32, #tpu.memory_space<vmem>> -> memref<1x160x128xf32, #tpu.memory_space<vmem>>
    %dma_start3A_84 = tpu.memref_squeeze %dma_start3A_83 : memref<1x160x128xf32, #tpu.memory_space<vmem>> -> memref<160x128xf32, #tpu.memory_space<vmem>>
    %dma_start3A_85 = arith.constant 0 : i32
    %dma_start3A_86 = tpu.memref_slice %arg4[%mul3A_80, %dma_start3A_85] : memref<100000x128xf32, #tpu.memory_space<hbm>> -> memref<160x128xf32, #tpu.memory_space<hbm>>
    %dma_start3A_87 = arith.constant 0 : i32
    %dma_start3A_88 = tpu.memref_slice %arg4[%mul3A_80, %dma_start3A_87] : memref<100000x128xf32, #tpu.memory_space<hbm>> -> memref<160x128xf32, #tpu.memory_space<hbm>>
    %dma_start3A_89 = arith.constant 0 : i32
    %dma_start3A_90 = arith.constant 0 : i32
    %dma_start3A_91 = tpu.memref_slice %arg6[%select_n3A_77, %dma_start3A_89, %dma_start3A_90] : memref<4x160x128xf32, #tpu.memory_space<vmem>> -> memref<1x160x128xf32, #tpu.memory_space<vmem>>
    %dma_start3A_92 = tpu.memref_squeeze %dma_start3A_91 : memref<1x160x128xf32, #tpu.memory_space<vmem>> -> memref<160x128xf32, #tpu.memory_space<vmem>>
    tpu.enqueue_dma source(%dma_start3A_92 : memref<160x128xf32, #tpu.memory_space<vmem>>) target(%dma_start3A_88 : memref<160x128xf32, #tpu.memory_space<hbm>>) target_semaphore(%arg9 : memref<!tpu.dma_semaphore, #tpu.memory_space<semaphore_mem>>)
    %add3A_93 = arith.constant 2 : i32
    %add3A_94 = arith.addi %scan3A_38, %add3A_93 : i32
    %mul3A_95 = arith.constant 160 : i32
    %mul3A_96 = arith.muli %add3A_94, %mul3A_95 : i32
    %multiple_of3A_97 = tpu.assume_multiple %mul3A_96, 8 : i32
    %jit3A_98 = arith.constant 4 : i32
    %eq3A_99 = arith.constant 0 : i32
    %eq3A_100 = arith.cmpi eq, %jit3A_98, %eq3A_99 : i32
    %jit3A_101 = arith.constant 1 : i32
    %select_n3A_102 = arith.select %eq3A_100, %jit3A_101, %jit3A_98 : i32
    %rem3A_103 = arith.remsi %add3A_94, %select_n3A_102 : i32
    %ne3A_104 = arith.constant 0 : i32
    %ne3A_105 = arith.cmpi ne, %rem3A_103, %ne3A_104 : i32
    %lt3A_106 = arith.constant 0 : i32
    %lt3A_107 = arith.cmpi slt, %rem3A_103, %lt3A_106 : i32
    %lt3A_108 = arith.constant 0 : i32
    %lt3A_109 = arith.cmpi slt, %select_n3A_102, %lt3A_108 : i32
    %ne3A_110 = arith.xori %lt3A_107, %lt3A_109 : i1
    %and3A_111 = arith.andi %ne3A_110, %ne3A_105 : i1
    %add3A_112 = arith.addi %rem3A_103, %select_n3A_102 : i32
    %select_n3A_113 = arith.select %and3A_111, %add3A_112, %rem3A_103 : i32
    %dma_start3A_114 = arith.constant 0 : i32
    %dma_start3A_115 = arith.constant 0 : i32
    %dma_start3A_116 = tpu.memref_slice %arg6[%select_n3A_113, %dma_start3A_114, %dma_start3A_115] : memref<4x160x128xf32, #tpu.memory_space<vmem>> -> memref<1x160x128xf32, #tpu.memory_space<vmem>>
    %dma_start3A_117 = tpu.memref_squeeze %dma_start3A_116 : memref<1x160x128xf32, #tpu.memory_space<vmem>> -> memref<160x128xf32, #tpu.memory_space<vmem>>
    %dma_start3A_118 = tpu.memref_slice %arg5[%multiple_of3A_97] : memref<3200xi32, #tpu.memory_space<vmem>> -> memref<160xi32, #tpu.memory_space<vmem>>
    %dma_start3A_119 = arith.constant 0 : i32
    %dma_start3A_120 = arith.constant 0 : i32
    %dma_start3A_121 = tpu.memref_slice %arg7[%dma_start3A_119, %dma_start3A_120] : memref<1000x128xf32, #tpu.memory_space<vmem_shared>> -> memref<1000x128xf32, #tpu.memory_space<vmem_shared>>
    tpu.enqueue_indirect_dma source(%dma_start3A_121 : memref<1000x128xf32, #tpu.memory_space<vmem_shared>>) target(%dma_start3A_117 : memref<160x128xf32, #tpu.memory_space<vmem>>) offsets(%dma_start3A_118 : memref<160xi32, #tpu.memory_space<vmem>>) semaphore(%arg8 : memref<!tpu.dma_semaphore, #tpu.memory_space<semaphore_mem>>)
    %scan3A_122 = arith.constant 1 : i32
    %mul3A_123 = arith.constant 160 : i32
    %mul3A_124 = arith.muli %scan3A_122, %mul3A_123 : i32
    %multiple_of3A_125 = tpu.assume_multiple %mul3A_124, 8 : i32
    %jit3A_126 = arith.constant 4 : i32
    %eq3A_127 = arith.constant 0 : i32
    %eq3A_128 = arith.cmpi eq, %jit3A_126, %eq3A_127 : i32
    %jit3A_129 = arith.constant 1 : i32
    %select_n3A_130 = arith.select %eq3A_128, %jit3A_129, %jit3A_126 : i32
    %rem3A_131 = arith.remsi %scan3A_122, %select_n3A_130 : i32
    %ne3A_132 = arith.constant 0 : i32
    %ne3A_133 = arith.cmpi ne, %rem3A_131, %ne3A_132 : i32
    %lt3A_134 = arith.constant 0 : i32
    %lt3A_135 = arith.cmpi slt, %rem3A_131, %lt3A_134 : i32
    %lt3A_136 = arith.constant 0 : i32
    %lt3A_137 = arith.cmpi slt, %select_n3A_130, %lt3A_136 : i32
    %ne3A_138 = arith.xori %lt3A_135, %lt3A_137 : i1
    %and3A_139 = arith.andi %ne3A_138, %ne3A_133 : i1
    %add3A_140 = arith.addi %rem3A_131, %select_n3A_130 : i32
    %select_n3A_141 = arith.select %and3A_139, %add3A_140, %rem3A_131 : i32
    %dma_wait3A_142 = arith.constant 0 : i32
    %dma_wait3A_143 = arith.constant 0 : i32
    %dma_wait3A_144 = tpu.memref_slice %arg6[%select_n3A_141, %dma_wait3A_142, %dma_wait3A_143] : memref<4x160x128xf32, #tpu.memory_space<vmem>> -> memref<1x160x128xf32, #tpu.memory_space<vmem>>
    %dma_wait3A_145 = tpu.memref_squeeze %dma_wait3A_144 : memref<1x160x128xf32, #tpu.memory_space<vmem>> -> memref<160x128xf32, #tpu.memory_space<vmem>>
    %dma_wait3A_146 = tpu.memref_slice %arg5[%multiple_of3A_125] : memref<3200xi32, #tpu.memory_space<vmem>> -> memref<160xi32, #tpu.memory_space<vmem>>
    %dma_wait3A_147 = arith.constant 0 : i32
    %dma_wait3A_148 = arith.constant 0 : i32
    %dma_wait3A_149 = tpu.memref_slice %arg7[%dma_wait3A_147, %dma_wait3A_148] : memref<1000x128xf32, #tpu.memory_space<vmem_shared>> -> memref<1000x128xf32, #tpu.memory_space<vmem_shared>>
    tpu.wait_indirect_dma semaphore(%arg8 : memref<!tpu.dma_semaphore, #tpu.memory_space<semaphore_mem>>) src(%dma_wait3A_149 : memref<1000x128xf32, #tpu.memory_space<vmem_shared>>) dst(%dma_wait3A_145 : memref<160x128xf32, #tpu.memory_space<vmem>>)
    %jit3A_150 = arith.constant 4 : i32
    %eq3A_151 = arith.constant 0 : i32
    %eq3A_152 = arith.cmpi eq, %jit3A_150, %eq3A_151 : i32
    %jit3A_153 = arith.constant 1 : i32
    %select_n3A_154 = arith.select %eq3A_152, %jit3A_153, %jit3A_150 : i32
    %rem3A_155 = arith.remsi %scan3A_122, %select_n3A_154 : i32
    %ne3A_156 = arith.constant 0 : i32
    %ne3A_157 = arith.cmpi ne, %rem3A_155, %ne3A_156 : i32
    %lt3A_158 = arith.constant 0 : i32
    %lt3A_159 = arith.cmpi slt, %rem3A_155, %lt3A_158 : i32
    %lt3A_160 = arith.constant 0 : i32
    %lt3A_161 = arith.cmpi slt, %select_n3A_154, %lt3A_160 : i32
    %ne3A_162 = arith.xori %lt3A_159, %lt3A_161 : i1
    %and3A_163 = arith.andi %ne3A_162, %ne3A_157 : i1
    %add3A_164 = arith.addi %rem3A_155, %select_n3A_154 : i32
    %select_n3A_165 = arith.select %and3A_163, %add3A_164, %rem3A_155 : i32
    %add3A_166 = arith.addi %add3A_8, %scan3A_122 : i32
    %mul3A_167 = arith.constant 160 : i32
    %mul3A_168 = arith.muli %add3A_166, %mul3A_167 : i32
    %dma_start3A_169 = arith.constant 0 : i32
    %dma_start3A_170 = arith.constant 0 : i32
    %dma_start3A_171 = tpu.memref_slice %arg6[%select_n3A_165, %dma_start3A_169, %dma_start3A_170] : memref<4x160x128xf32, #tpu.memory_space<vmem>> -> memref<1x160x128xf32, #tpu.memory_space<vmem>>
    %dma_start3A_172 = tpu.memref_squeeze %dma_start3A_171 : memref<1x160x128xf32, #tpu.memory_space<vmem>> -> memref<160x128xf32, #tpu.memory_space<vmem>>
    %dma_start3A_173 = arith.constant 0 : i32
    %dma_start3A_174 = tpu.memref_slice %arg4[%mul3A_168, %dma_start3A_173] : memref<100000x128xf32, #tpu.memory_space<hbm>> -> memref<160x128xf32, #tpu.memory_space<hbm>>
    %dma_start3A_175 = arith.constant 0 : i32
    %dma_start3A_176 = tpu.memref_slice %arg4[%mul3A_168, %dma_start3A_175] : memref<100000x128xf32, #tpu.memory_space<hbm>> -> memref<160x128xf32, #tpu.memory_space<hbm>>
    %dma_start3A_177 = arith.constant 0 : i32
    %dma_start3A_178 = arith.constant 0 : i32
    %dma_start3A_179 = tpu.memref_slice %arg6[%select_n3A_165, %dma_start3A_177, %dma_start3A_178] : memref<4x160x128xf32, #tpu.memory_space<vmem>> -> memref<1x160x128xf32, #tpu.memory_space<vmem>>
    %dma_start3A_180 = tpu.memref_squeeze %dma_start3A_179 : memref<1x160x128xf32, #tpu.memory_space<vmem>> -> memref<160x128xf32, #tpu.memory_space<vmem>>
    tpu.enqueue_dma source(%dma_start3A_180 : memref<160x128xf32, #tpu.memory_space<vmem>>) target(%dma_start3A_176 : memref<160x128xf32, #tpu.memory_space<hbm>>) target_semaphore(%arg9 : memref<!tpu.dma_semaphore, #tpu.memory_space<semaphore_mem>>)
    %add3A_181 = arith.constant 2 : i32
    %add3A_182 = arith.addi %scan3A_122, %add3A_181 : i32
    %mul3A_183 = arith.constant 160 : i32
    %mul3A_184 = arith.muli %add3A_182, %mul3A_183 : i32
    %multiple_of3A_185 = tpu.assume_multiple %mul3A_184, 8 : i32
    %jit3A_186 = arith.constant 4 : i32
    %eq3A_187 = arith.constant 0 : i32
    %eq3A_188 = arith.cmpi eq, %jit3A_186, %eq3A_187 : i32
    %jit3A_189 = arith.constant 1 : i32
    %select_n3A_190 = arith.select %eq3A_188, %jit3A_189, %jit3A_186 : i32
    %rem3A_191 = arith.remsi %add3A_182, %select_n3A_190 : i32
    %ne3A_192 = arith.constant 0 : i32
    %ne3A_193 = arith.cmpi ne, %rem3A_191, %ne3A_192 : i32
    %lt3A_194 = arith.constant 0 : i32
    %lt3A_195 = arith.cmpi slt, %rem3A_191, %lt3A_194 : i32
    %lt3A_196 = arith.constant 0 : i32
    %lt3A_197 = arith.cmpi slt, %select_n3A_190, %lt3A_196 : i32
    %ne3A_198 = arith.xori %lt3A_195, %lt3A_197 : i1
    %and3A_199 = arith.andi %ne3A_198, %ne3A_193 : i1
    %add3A_200 = arith.addi %rem3A_191, %select_n3A_190 : i32
    %select_n3A_201 = arith.select %and3A_199, %add3A_200, %rem3A_191 : i32
    %dma_start3A_202 = arith.constant 0 : i32
    %dma_start3A_203 = arith.constant 0 : i32
    %dma_start3A_204 = tpu.memref_slice %arg6[%select_n3A_201, %dma_start3A_202, %dma_start3A_203] : memref<4x160x128xf32, #tpu.memory_space<vmem>> -> memref<1x160x128xf32, #tpu.memory_space<vmem>>
    %dma_start3A_205 = tpu.memref_squeeze %dma_start3A_204 : memref<1x160x128xf32, #tpu.memory_space<vmem>> -> memref<160x128xf32, #tpu.memory_space<vmem>>
    %dma_start3A_206 = tpu.memref_slice %arg5[%multiple_of3A_185] : memref<3200xi32, #tpu.memory_space<vmem>> -> memref<160xi32, #tpu.memory_space<vmem>>
    %dma_start3A_207 = arith.constant 0 : i32
    %dma_start3A_208 = arith.constant 0 : i32
    %dma_start3A_209 = tpu.memref_slice %arg7[%dma_start3A_207, %dma_start3A_208] : memref<1000x128xf32, #tpu.memory_space<vmem_shared>> -> memref<1000x128xf32, #tpu.memory_space<vmem_shared>>
    tpu.enqueue_indirect_dma source(%dma_start3A_209 : memref<1000x128xf32, #tpu.memory_space<vmem_shared>>) target(%dma_start3A_205 : memref<160x128xf32, #tpu.memory_space<vmem>>) offsets(%dma_start3A_206 : memref<160xi32, #tpu.memory_space<vmem>>) semaphore(%arg8 : memref<!tpu.dma_semaphore, #tpu.memory_space<semaphore_mem>>)
    %scan3A_210 = arith.constant 2 : i32
    %sub3A = arith.constant 2 : i32
    %sub3A_211 = arith.subi %add3A_4, %sub3A : i32
    %while3A = arith.constant 0 : i32
    %while3A_212 = arith.constant 2 : i32
    %while3A_213 = arith.subi %sub3A_211, %while3A_212 : i32
    %while3A_214 = arith.addi %while3A_212, %while3A_213 : i32
    %while3A_215 = arith.constant 1 : i32
    %while3A_216 = arith.divsi %while3A_213, %while3A_215 : i32
    %while3A_217 = arith.muli %while3A_216, %while3A_215 : i32
    %while3A_218 = arith.addi %while3A_212, %while3A_217 : i32
    %while3A_219 = arith.constant 1 : i32
    scf.for %while3A_292 = %while3A_212 to %while3A_218 step %while3A_219  : i32 {
      %mul3A_293 = arith.constant 160 : i32
      %mul3A_294 = arith.muli %add3A_8, %mul3A_293 : i32
      %dma_wait3A_295 = arith.constant 0 : i32
      %dma_wait3A_296 = arith.constant 0 : i32
      %dma_wait3A_297 = arith.constant 0 : i32
      %dma_wait3A_298 = tpu.memref_slice %arg6[%dma_wait3A_295, %dma_wait3A_296, %dma_wait3A_297] : memref<4x160x128xf32, #tpu.memory_space<vmem>> -> memref<1x160x128xf32, #tpu.memory_space<vmem>>
      %dma_wait3A_299 = tpu.memref_squeeze %dma_wait3A_298 : memref<1x160x128xf32, #tpu.memory_space<vmem>> -> memref<160x128xf32, #tpu.memory_space<vmem>>
      %dma_wait3A_300 = arith.constant 0 : i32
      %dma_wait3A_301 = tpu.memref_slice %arg4[%mul3A_294, %dma_wait3A_300] : memref<100000x128xf32, #tpu.memory_space<hbm>> -> memref<160x128xf32, #tpu.memory_space<hbm>>
      %dma_wait3A_302 = arith.constant 0 : i32
      %dma_wait3A_303 = tpu.memref_slice %arg4[%mul3A_294, %dma_wait3A_302] : memref<100000x128xf32, #tpu.memory_space<hbm>> -> memref<160x128xf32, #tpu.memory_space<hbm>>
      %dma_wait3A_304 = arith.constant 0 : i32
      %dma_wait3A_305 = arith.constant 0 : i32
      %dma_wait3A_306 = tpu.memref_slice %arg6[%dma_wait3A_295, %dma_wait3A_304, %dma_wait3A_305] : memref<4x160x128xf32, #tpu.memory_space<vmem>> -> memref<1x160x128xf32, #tpu.memory_space<vmem>>
      %dma_wait3A_307 = tpu.memref_squeeze %dma_wait3A_306 : memref<1x160x128xf32, #tpu.memory_space<vmem>> -> memref<160x128xf32, #tpu.memory_space<vmem>>
      tpu.wait_dma2 semaphore(%arg9 : memref<!tpu.dma_semaphore, #tpu.memory_space<semaphore_mem>>) src(%dma_wait3A_307 : memref<160x128xf32, #tpu.memory_space<vmem>>) dst(%dma_wait3A_303 : memref<160x128xf32, #tpu.memory_space<hbm>>)
      %mul3A_308 = arith.constant 160 : i32
      %mul3A_309 = arith.muli %while3A_292, %mul3A_308 : i32
      %multiple_of3A_310 = tpu.assume_multiple %mul3A_309, 8 : i32
      %jit3A_311 = arith.constant 4 : i32
      %eq3A_312 = arith.constant 0 : i32
      %eq3A_313 = arith.cmpi eq, %jit3A_311, %eq3A_312 : i32
      %jit3A_314 = arith.constant 1 : i32
      %select_n3A_315 = arith.select %eq3A_313, %jit3A_314, %jit3A_311 : i32
      %rem3A_316 = arith.remsi %while3A_292, %select_n3A_315 : i32
      %ne3A_317 = arith.constant 0 : i32
      %ne3A_318 = arith.cmpi ne, %rem3A_316, %ne3A_317 : i32
      %lt3A_319 = arith.constant 0 : i32
      %lt3A_320 = arith.cmpi slt, %rem3A_316, %lt3A_319 : i32
      %lt3A_321 = arith.constant 0 : i32
      %lt3A_322 = arith.cmpi slt, %select_n3A_315, %lt3A_321 : i32
      %ne3A_323 = arith.xori %lt3A_320, %lt3A_322 : i1
      %and3A_324 = arith.andi %ne3A_323, %ne3A_318 : i1
      %add3A_325 = arith.addi %rem3A_316, %select_n3A_315 : i32
      %select_n3A_326 = arith.select %and3A_324, %add3A_325, %rem3A_316 : i32
      %dma_wait3A_327 = arith.constant 0 : i32
      %dma_wait3A_328 = arith.constant 0 : i32
      %dma_wait3A_329 = tpu.memref_slice %arg6[%select_n3A_326, %dma_wait3A_327, %dma_wait3A_328] : memref<4x160x128xf32, #tpu.memory_space<vmem>> -> memref<1x160x128xf32, #tpu.memory_space<vmem>>
      %dma_wait3A_330 = tpu.memref_squeeze %dma_wait3A_329 : memref<1x160x128xf32, #tpu.memory_space<vmem>> -> memref<160x128xf32, #tpu.memory_space<vmem>>
      %dma_wait3A_331 = tpu.memref_slice %arg5[%multiple_of3A_310] : memref<3200xi32, #tpu.memory_space<vmem>> -> memref<160xi32, #tpu.memory_space<vmem>>
      %dma_wait3A_332 = arith.constant 0 : i32
      %dma_wait3A_333 = arith.constant 0 : i32
      %dma_wait3A_334 = tpu.memref_slice %arg7[%dma_wait3A_332, %dma_wait3A_333] : memref<1000x128xf32, #tpu.memory_space<vmem_shared>> -> memref<1000x128xf32, #tpu.memory_space<vmem_shared>>
      tpu.wait_indirect_dma semaphore(%arg8 : memref<!tpu.dma_semaphore, #tpu.memory_space<semaphore_mem>>) src(%dma_wait3A_334 : memref<1000x128xf32, #tpu.memory_space<vmem_shared>>) dst(%dma_wait3A_330 : memref<160x128xf32, #tpu.memory_space<vmem>>)
      %jit3A_335 = arith.constant 4 : i32
      %eq3A_336 = arith.constant 0 : i32
      %eq3A_337 = arith.cmpi eq, %jit3A_335, %eq3A_336 : i32
      %jit3A_338 = arith.constant 1 : i32
      %select_n3A_339 = arith.select %eq3A_337, %jit3A_338, %jit3A_335 : i32
      %rem3A_340 = arith.remsi %while3A_292, %select_n3A_339 : i32
      %ne3A_341 = arith.constant 0 : i32
      %ne3A_342 = arith.cmpi ne, %rem3A_340, %ne3A_341 : i32
      %lt3A_343 = arith.constant 0 : i32
      %lt3A_344 = arith.cmpi slt, %rem3A_340, %lt3A_343 : i32
      %lt3A_345 = arith.constant 0 : i32
      %lt3A_346 = arith.cmpi slt, %select_n3A_339, %lt3A_345 : i32
      %ne3A_347 = arith.xori %lt3A_344, %lt3A_346 : i1
      %and3A_348 = arith.andi %ne3A_347, %ne3A_342 : i1
      %add3A_349 = arith.addi %rem3A_340, %select_n3A_339 : i32
      %select_n3A_350 = arith.select %and3A_348, %add3A_349, %rem3A_340 : i32
      %add3A_351 = arith.addi %add3A_8, %while3A_292 : i32
      %mul3A_352 = arith.constant 160 : i32
      %mul3A_353 = arith.muli %add3A_351, %mul3A_352 : i32
      %dma_start3A_354 = arith.constant 0 : i32
      %dma_start3A_355 = arith.constant 0 : i32
      %dma_start3A_356 = tpu.memref_slice %arg6[%select_n3A_350, %dma_start3A_354, %dma_start3A_355] : memref<4x160x128xf32, #tpu.memory_space<vmem>> -> memref<1x160x128xf32, #tpu.memory_space<vmem>>
      %dma_start3A_357 = tpu.memref_squeeze %dma_start3A_356 : memref<1x160x128xf32, #tpu.memory_space<vmem>> -> memref<160x128xf32, #tpu.memory_space<vmem>>
      %dma_start3A_358 = arith.constant 0 : i32
      %dma_start3A_359 = tpu.memref_slice %arg4[%mul3A_353, %dma_start3A_358] : memref<100000x128xf32, #tpu.memory_space<hbm>> -> memref<160x128xf32, #tpu.memory_space<hbm>>
      %dma_start3A_360 = arith.constant 0 : i32
      %dma_start3A_361 = tpu.memref_slice %arg4[%mul3A_353, %dma_start3A_360] : memref<100000x128xf32, #tpu.memory_space<hbm>> -> memref<160x128xf32, #tpu.memory_space<hbm>>
      %dma_start3A_362 = arith.constant 0 : i32
      %dma_start3A_363 = arith.constant 0 : i32
      %dma_start3A_364 = tpu.memref_slice %arg6[%select_n3A_350, %dma_start3A_362, %dma_start3A_363] : memref<4x160x128xf32, #tpu.memory_space<vmem>> -> memref<1x160x128xf32, #tpu.memory_space<vmem>>
      %dma_start3A_365 = tpu.memref_squeeze %dma_start3A_364 : memref<1x160x128xf32, #tpu.memory_space<vmem>> -> memref<160x128xf32, #tpu.memory_space<vmem>>
      tpu.enqueue_dma source(%dma_start3A_365 : memref<160x128xf32, #tpu.memory_space<vmem>>) target(%dma_start3A_361 : memref<160x128xf32, #tpu.memory_space<hbm>>) target_semaphore(%arg9 : memref<!tpu.dma_semaphore, #tpu.memory_space<semaphore_mem>>)
      %add3A_366 = arith.constant 2 : i32
      %add3A_367 = arith.addi %while3A_292, %add3A_366 : i32
      %mul3A_368 = arith.constant 160 : i32
      %mul3A_369 = arith.muli %add3A_367, %mul3A_368 : i32
      %multiple_of3A_370 = tpu.assume_multiple %mul3A_369, 8 : i32
      %jit3A_371 = arith.constant 4 : i32
      %eq3A_372 = arith.constant 0 : i32
      %eq3A_373 = arith.cmpi eq, %jit3A_371, %eq3A_372 : i32
      %jit3A_374 = arith.constant 1 : i32
      %select_n3A_375 = arith.select %eq3A_373, %jit3A_374, %jit3A_371 : i32
      %rem3A_376 = arith.remsi %add3A_367, %select_n3A_375 : i32
      %ne3A_377 = arith.constant 0 : i32
      %ne3A_378 = arith.cmpi ne, %rem3A_376, %ne3A_377 : i32
      %lt3A_379 = arith.constant 0 : i32
      %lt3A_380 = arith.cmpi slt, %rem3A_376, %lt3A_379 : i32
      %lt3A_381 = arith.constant 0 : i32
      %lt3A_382 = arith.cmpi slt, %select_n3A_375, %lt3A_381 : i32
      %ne3A_383 = arith.xori %lt3A_380, %lt3A_382 : i1
      %and3A_384 = arith.andi %ne3A_383, %ne3A_378 : i1
      %add3A_385 = arith.addi %rem3A_376, %select_n3A_375 : i32
      %select_n3A_386 = arith.select %and3A_384, %add3A_385, %rem3A_376 : i32
      %dma_start3A_387 = arith.constant 0 : i32
      %dma_start3A_388 = arith.constant 0 : i32
      %dma_start3A_389 = tpu.memref_slice %arg6[%select_n3A_386, %dma_start3A_387, %dma_start3A_388] : memref<4x160x128xf32, #tpu.memory_space<vmem>> -> memref<1x160x128xf32, #tpu.memory_space<vmem>>
      %dma_start3A_390 = tpu.memref_squeeze %dma_start3A_389 : memref<1x160x128xf32, #tpu.memory_space<vmem>> -> memref<160x128xf32, #tpu.memory_space<vmem>>
      %dma_start3A_391 = tpu.memref_slice %arg5[%multiple_of3A_370] : memref<3200xi32, #tpu.memory_space<vmem>> -> memref<160xi32, #tpu.memory_space<vmem>>
      %dma_start3A_392 = arith.constant 0 : i32
      %dma_start3A_393 = arith.constant 0 : i32
      %dma_start3A_394 = tpu.memref_slice %arg7[%dma_start3A_392, %dma_start3A_393] : memref<1000x128xf32, #tpu.memory_space<vmem_shared>> -> memref<1000x128xf32, #tpu.memory_space<vmem_shared>>
      tpu.enqueue_indirect_dma source(%dma_start3A_394 : memref<1000x128xf32, #tpu.memory_space<vmem_shared>>) target(%dma_start3A_390 : memref<160x128xf32, #tpu.memory_space<vmem>>) offsets(%dma_start3A_391 : memref<160xi32, #tpu.memory_space<vmem>>) semaphore(%arg8 : memref<!tpu.dma_semaphore, #tpu.memory_space<semaphore_mem>>)
    }
    %while3A_220 = arith.constant 1 : i32
    scf.for %while3A_292 = %while3A_218 to %while3A_214 step %while3A_220  : i32 {
      %mul3A_293 = arith.constant 160 : i32
      %mul3A_294 = arith.muli %add3A_8, %mul3A_293 : i32
      %dma_wait3A_295 = arith.constant 0 : i32
      %dma_wait3A_296 = arith.constant 0 : i32
      %dma_wait3A_297 = arith.constant 0 : i32
      %dma_wait3A_298 = tpu.memref_slice %arg6[%dma_wait3A_295, %dma_wait3A_296, %dma_wait3A_297] : memref<4x160x128xf32, #tpu.memory_space<vmem>> -> memref<1x160x128xf32, #tpu.memory_space<vmem>>
      %dma_wait3A_299 = tpu.memref_squeeze %dma_wait3A_298 : memref<1x160x128xf32, #tpu.memory_space<vmem>> -> memref<160x128xf32, #tpu.memory_space<vmem>>
      %dma_wait3A_300 = arith.constant 0 : i32
      %dma_wait3A_301 = tpu.memref_slice %arg4[%mul3A_294, %dma_wait3A_300] : memref<100000x128xf32, #tpu.memory_space<hbm>> -> memref<160x128xf32, #tpu.memory_space<hbm>>
      %dma_wait3A_302 = arith.constant 0 : i32
      %dma_wait3A_303 = tpu.memref_slice %arg4[%mul3A_294, %dma_wait3A_302] : memref<100000x128xf32, #tpu.memory_space<hbm>> -> memref<160x128xf32, #tpu.memory_space<hbm>>
      %dma_wait3A_304 = arith.constant 0 : i32
      %dma_wait3A_305 = arith.constant 0 : i32
      %dma_wait3A_306 = tpu.memref_slice %arg6[%dma_wait3A_295, %dma_wait3A_304, %dma_wait3A_305] : memref<4x160x128xf32, #tpu.memory_space<vmem>> -> memref<1x160x128xf32, #tpu.memory_space<vmem>>
      %dma_wait3A_307 = tpu.memref_squeeze %dma_wait3A_306 : memref<1x160x128xf32, #tpu.memory_space<vmem>> -> memref<160x128xf32, #tpu.memory_space<vmem>>
      tpu.wait_dma2 semaphore(%arg9 : memref<!tpu.dma_semaphore, #tpu.memory_space<semaphore_mem>>) src(%dma_wait3A_307 : memref<160x128xf32, #tpu.memory_space<vmem>>) dst(%dma_wait3A_303 : memref<160x128xf32, #tpu.memory_space<hbm>>)
      %mul3A_308 = arith.constant 160 : i32
      %mul3A_309 = arith.muli %while3A_292, %mul3A_308 : i32
      %multiple_of3A_310 = tpu.assume_multiple %mul3A_309, 8 : i32
      %jit3A_311 = arith.constant 4 : i32
      %eq3A_312 = arith.constant 0 : i32
      %eq3A_313 = arith.cmpi eq, %jit3A_311, %eq3A_312 : i32
      %jit3A_314 = arith.constant 1 : i32
      %select_n3A_315 = arith.select %eq3A_313, %jit3A_314, %jit3A_311 : i32
      %rem3A_316 = arith.remsi %while3A_292, %select_n3A_315 : i32
      %ne3A_317 = arith.constant 0 : i32
      %ne3A_318 = arith.cmpi ne, %rem3A_316, %ne3A_317 : i32
      %lt3A_319 = arith.constant 0 : i32
      %lt3A_320 = arith.cmpi slt, %rem3A_316, %lt3A_319 : i32
      %lt3A_321 = arith.constant 0 : i32
      %lt3A_322 = arith.cmpi slt, %select_n3A_315, %lt3A_321 : i32
      %ne3A_323 = arith.xori %lt3A_320, %lt3A_322 : i1
      %and3A_324 = arith.andi %ne3A_323, %ne3A_318 : i1
      %add3A_325 = arith.addi %rem3A_316, %select_n3A_315 : i32
      %select_n3A_326 = arith.select %and3A_324, %add3A_325, %rem3A_316 : i32
      %dma_wait3A_327 = arith.constant 0 : i32
      %dma_wait3A_328 = arith.constant 0 : i32
      %dma_wait3A_329 = tpu.memref_slice %arg6[%select_n3A_326, %dma_wait3A_327, %dma_wait3A_328] : memref<4x160x128xf32, #tpu.memory_space<vmem>> -> memref<1x160x128xf32, #tpu.memory_space<vmem>>
      %dma_wait3A_330 = tpu.memref_squeeze %dma_wait3A_329 : memref<1x160x128xf32, #tpu.memory_space<vmem>> -> memref<160x128xf32, #tpu.memory_space<vmem>>
      %dma_wait3A_331 = tpu.memref_slice %arg5[%multiple_of3A_310] : memref<3200xi32, #tpu.memory_space<vmem>> -> memref<160xi32, #tpu.memory_space<vmem>>
      %dma_wait3A_332 = arith.constant 0 : i32
      %dma_wait3A_333 = arith.constant 0 : i32
      %dma_wait3A_334 = tpu.memref_slice %arg7[%dma_wait3A_332, %dma_wait3A_333] : memref<1000x128xf32, #tpu.memory_space<vmem_shared>> -> memref<1000x128xf32, #tpu.memory_space<vmem_shared>>
      tpu.wait_indirect_dma semaphore(%arg8 : memref<!tpu.dma_semaphore, #tpu.memory_space<semaphore_mem>>) src(%dma_wait3A_334 : memref<1000x128xf32, #tpu.memory_space<vmem_shared>>) dst(%dma_wait3A_330 : memref<160x128xf32, #tpu.memory_space<vmem>>)
      %jit3A_335 = arith.constant 4 : i32
      %eq3A_336 = arith.constant 0 : i32
      %eq3A_337 = arith.cmpi eq, %jit3A_335, %eq3A_336 : i32
      %jit3A_338 = arith.constant 1 : i32
      %select_n3A_339 = arith.select %eq3A_337, %jit3A_338, %jit3A_335 : i32
      %rem3A_340 = arith.remsi %while3A_292, %select_n3A_339 : i32
      %ne3A_341 = arith.constant 0 : i32
      %ne3A_342 = arith.cmpi ne, %rem3A_340, %ne3A_341 : i32
      %lt3A_343 = arith.constant 0 : i32
      %lt3A_344 = arith.cmpi slt, %rem3A_340, %lt3A_343 : i32
      %lt3A_345 = arith.constant 0 : i32
      %lt3A_346 = arith.cmpi slt, %select_n3A_339, %lt3A_345 : i32
      %ne3A_347 = arith.xori %lt3A_344, %lt3A_346 : i1
      %and3A_348 = arith.andi %ne3A_347, %ne3A_342 : i1
      %add3A_349 = arith.addi %rem3A_340, %select_n3A_339 : i32
      %select_n3A_350 = arith.select %and3A_348, %add3A_349, %rem3A_340 : i32
      %add3A_351 = arith.addi %add3A_8, %while3A_292 : i32
      %mul3A_352 = arith.constant 160 : i32
      %mul3A_353 = arith.muli %add3A_351, %mul3A_352 : i32
      %dma_start3A_354 = arith.constant 0 : i32
      %dma_start3A_355 = arith.constant 0 : i32
      %dma_start3A_356 = tpu.memref_slice %arg6[%select_n3A_350, %dma_start3A_354, %dma_start3A_355] : memref<4x160x128xf32, #tpu.memory_space<vmem>> -> memref<1x160x128xf32, #tpu.memory_space<vmem>>
      %dma_start3A_357 = tpu.memref_squeeze %dma_start3A_356 : memref<1x160x128xf32, #tpu.memory_space<vmem>> -> memref<160x128xf32, #tpu.memory_space<vmem>>
      %dma_start3A_358 = arith.constant 0 : i32
      %dma_start3A_359 = tpu.memref_slice %arg4[%mul3A_353, %dma_start3A_358] : memref<100000x128xf32, #tpu.memory_space<hbm>> -> memref<160x128xf32, #tpu.memory_space<hbm>>
      %dma_start3A_360 = arith.constant 0 : i32
      %dma_start3A_361 = tpu.memref_slice %arg4[%mul3A_353, %dma_start3A_360] : memref<100000x128xf32, #tpu.memory_space<hbm>> -> memref<160x128xf32, #tpu.memory_space<hbm>>
      %dma_start3A_362 = arith.constant 0 : i32
      %dma_start3A_363 = arith.constant 0 : i32
      %dma_start3A_364 = tpu.memref_slice %arg6[%select_n3A_350, %dma_start3A_362, %dma_start3A_363] : memref<4x160x128xf32, #tpu.memory_space<vmem>> -> memref<1x160x128xf32, #tpu.memory_space<vmem>>
      %dma_start3A_365 = tpu.memref_squeeze %dma_start3A_364 : memref<1x160x128xf32, #tpu.memory_space<vmem>> -> memref<160x128xf32, #tpu.memory_space<vmem>>
      tpu.enqueue_dma source(%dma_start3A_365 : memref<160x128xf32, #tpu.memory_space<vmem>>) target(%dma_start3A_361 : memref<160x128xf32, #tpu.memory_space<hbm>>) target_semaphore(%arg9 : memref<!tpu.dma_semaphore, #tpu.memory_space<semaphore_mem>>)
      %add3A_366 = arith.constant 2 : i32
      %add3A_367 = arith.addi %while3A_292, %add3A_366 : i32
      %mul3A_368 = arith.constant 160 : i32
      %mul3A_369 = arith.muli %add3A_367, %mul3A_368 : i32
      %multiple_of3A_370 = tpu.assume_multiple %mul3A_369, 8 : i32
      %jit3A_371 = arith.constant 4 : i32
      %eq3A_372 = arith.constant 0 : i32
      %eq3A_373 = arith.cmpi eq, %jit3A_371, %eq3A_372 : i32
      %jit3A_374 = arith.constant 1 : i32
      %select_n3A_375 = arith.select %eq3A_373, %jit3A_374, %jit3A_371 : i32
      %rem3A_376 = arith.remsi %add3A_367, %select_n3A_375 : i32
      %ne3A_377 = arith.constant 0 : i32
      %ne3A_378 = arith.cmpi ne, %rem3A_376, %ne3A_377 : i32
      %lt3A_379 = arith.constant 0 : i32
      %lt3A_380 = arith.cmpi slt, %rem3A_376, %lt3A_379 : i32
      %lt3A_381 = arith.constant 0 : i32
      %lt3A_382 = arith.cmpi slt, %select_n3A_375, %lt3A_381 : i32
      %ne3A_383 = arith.xori %lt3A_380, %lt3A_382 : i1
      %and3A_384 = arith.andi %ne3A_383, %ne3A_378 : i1
      %add3A_385 = arith.addi %rem3A_376, %select_n3A_375 : i32
      %select_n3A_386 = arith.select %and3A_384, %add3A_385, %rem3A_376 : i32
      %dma_start3A_387 = arith.constant 0 : i32
      %dma_start3A_388 = arith.constant 0 : i32
      %dma_start3A_389 = tpu.memref_slice %arg6[%select_n3A_386, %dma_start3A_387, %dma_start3A_388] : memref<4x160x128xf32, #tpu.memory_space<vmem>> -> memref<1x160x128xf32, #tpu.memory_space<vmem>>
      %dma_start3A_390 = tpu.memref_squeeze %dma_start3A_389 : memref<1x160x128xf32, #tpu.memory_space<vmem>> -> memref<160x128xf32, #tpu.memory_space<vmem>>
      %dma_start3A_391 = tpu.memref_slice %arg5[%multiple_of3A_370] : memref<3200xi32, #tpu.memory_space<vmem>> -> memref<160xi32, #tpu.memory_space<vmem>>
      %dma_start3A_392 = arith.constant 0 : i32
      %dma_start3A_393 = arith.constant 0 : i32
      %dma_start3A_394 = tpu.memref_slice %arg7[%dma_start3A_392, %dma_start3A_393] : memref<1000x128xf32, #tpu.memory_space<vmem_shared>> -> memref<1000x128xf32, #tpu.memory_space<vmem_shared>>
      tpu.enqueue_indirect_dma source(%dma_start3A_394 : memref<1000x128xf32, #tpu.memory_space<vmem_shared>>) target(%dma_start3A_390 : memref<160x128xf32, #tpu.memory_space<vmem>>) offsets(%dma_start3A_391 : memref<160xi32, #tpu.memory_space<vmem>>) semaphore(%arg8 : memref<!tpu.dma_semaphore, #tpu.memory_space<semaphore_mem>>)
    }
    %sub3A_221 = arith.constant 2 : i32
    %sub3A_222 = arith.subi %add3A_4, %sub3A_221 : i32
    %while3A_223 = arith.constant 0 : i32
    %while3A_224 = arith.subi %add3A_4, %sub3A_222 : i32
    %while3A_225 = arith.addi %sub3A_222, %while3A_224 : i32
    %while3A_226 = arith.constant 1 : i32
    %while3A_227 = arith.divsi %while3A_224, %while3A_226 : i32
    %while3A_228 = arith.muli %while3A_227, %while3A_226 : i32
    %while3A_229 = arith.addi %sub3A_222, %while3A_228 : i32
    %while3A_230 = arith.constant 1 : i32
    scf.for %while3A_292 = %sub3A_222 to %while3A_229 step %while3A_230  : i32 {
      %mul3A_293 = arith.constant 160 : i32
      %mul3A_294 = arith.muli %while3A_292, %mul3A_293 : i32
      %multiple_of3A_295 = tpu.assume_multiple %mul3A_294, 8 : i32
      %jit3A_296 = arith.constant 4 : i32
      %eq3A_297 = arith.constant 0 : i32
      %eq3A_298 = arith.cmpi eq, %jit3A_296, %eq3A_297 : i32
      %jit3A_299 = arith.constant 1 : i32
      %select_n3A_300 = arith.select %eq3A_298, %jit3A_299, %jit3A_296 : i32
      %rem3A_301 = arith.remsi %while3A_292, %select_n3A_300 : i32
      %ne3A_302 = arith.constant 0 : i32
      %ne3A_303 = arith.cmpi ne, %rem3A_301, %ne3A_302 : i32
      %lt3A_304 = arith.constant 0 : i32
      %lt3A_305 = arith.cmpi slt, %rem3A_301, %lt3A_304 : i32
      %lt3A_306 = arith.constant 0 : i32
      %lt3A_307 = arith.cmpi slt, %select_n3A_300, %lt3A_306 : i32
      %ne3A_308 = arith.xori %lt3A_305, %lt3A_307 : i1
      %and3A_309 = arith.andi %ne3A_308, %ne3A_303 : i1
      %add3A_310 = arith.addi %rem3A_301, %select_n3A_300 : i32
      %select_n3A_311 = arith.select %and3A_309, %add3A_310, %rem3A_301 : i32
      %dma_wait3A_312 = arith.constant 0 : i32
      %dma_wait3A_313 = arith.constant 0 : i32
      %dma_wait3A_314 = tpu.memref_slice %arg6[%select_n3A_311, %dma_wait3A_312, %dma_wait3A_313] : memref<4x160x128xf32, #tpu.memory_space<vmem>> -> memref<1x160x128xf32, #tpu.memory_space<vmem>>
      %dma_wait3A_315 = tpu.memref_squeeze %dma_wait3A_314 : memref<1x160x128xf32, #tpu.memory_space<vmem>> -> memref<160x128xf32, #tpu.memory_space<vmem>>
      %dma_wait3A_316 = tpu.memref_slice %arg5[%multiple_of3A_295] : memref<3200xi32, #tpu.memory_space<vmem>> -> memref<160xi32, #tpu.memory_space<vmem>>
      %dma_wait3A_317 = arith.constant 0 : i32
      %dma_wait3A_318 = arith.constant 0 : i32
      %dma_wait3A_319 = tpu.memref_slice %arg7[%dma_wait3A_317, %dma_wait3A_318] : memref<1000x128xf32, #tpu.memory_space<vmem_shared>> -> memref<1000x128xf32, #tpu.memory_space<vmem_shared>>
      tpu.wait_indirect_dma semaphore(%arg8 : memref<!tpu.dma_semaphore, #tpu.memory_space<semaphore_mem>>) src(%dma_wait3A_319 : memref<1000x128xf32, #tpu.memory_space<vmem_shared>>) dst(%dma_wait3A_315 : memref<160x128xf32, #tpu.memory_space<vmem>>)
      %jit3A_320 = arith.constant 4 : i32
      %eq3A_321 = arith.constant 0 : i32
      %eq3A_322 = arith.cmpi eq, %jit3A_320, %eq3A_321 : i32
      %jit3A_323 = arith.constant 1 : i32
      %select_n3A_324 = arith.select %eq3A_322, %jit3A_323, %jit3A_320 : i32
      %rem3A_325 = arith.remsi %while3A_292, %select_n3A_324 : i32
      %ne3A_326 = arith.constant 0 : i32
      %ne3A_327 = arith.cmpi ne, %rem3A_325, %ne3A_326 : i32
      %lt3A_328 = arith.constant 0 : i32
      %lt3A_329 = arith.cmpi slt, %rem3A_325, %lt3A_328 : i32
      %lt3A_330 = arith.constant 0 : i32
      %lt3A_331 = arith.cmpi slt, %select_n3A_324, %lt3A_330 : i32
      %ne3A_332 = arith.xori %lt3A_329, %lt3A_331 : i1
      %and3A_333 = arith.andi %ne3A_332, %ne3A_327 : i1
      %add3A_334 = arith.addi %rem3A_325, %select_n3A_324 : i32
      %select_n3A_335 = arith.select %and3A_333, %add3A_334, %rem3A_325 : i32
      %add3A_336 = arith.addi %add3A_8, %while3A_292 : i32
      %mul3A_337 = arith.constant 160 : i32
      %mul3A_338 = arith.muli %add3A_336, %mul3A_337 : i32
      %dma_start3A_339 = arith.constant 0 : i32
      %dma_start3A_340 = arith.constant 0 : i32
      %dma_start3A_341 = tpu.memref_slice %arg6[%select_n3A_335, %dma_start3A_339, %dma_start3A_340] : memref<4x160x128xf32, #tpu.memory_space<vmem>> -> memref<1x160x128xf32, #tpu.memory_space<vmem>>
      %dma_start3A_342 = tpu.memref_squeeze %dma_start3A_341 : memref<1x160x128xf32, #tpu.memory_space<vmem>> -> memref<160x128xf32, #tpu.memory_space<vmem>>
      %dma_start3A_343 = arith.constant 0 : i32
      %dma_start3A_344 = tpu.memref_slice %arg4[%mul3A_338, %dma_start3A_343] : memref<100000x128xf32, #tpu.memory_space<hbm>> -> memref<160x128xf32, #tpu.memory_space<hbm>>
      %dma_start3A_345 = arith.constant 0 : i32
      %dma_start3A_346 = tpu.memref_slice %arg4[%mul3A_338, %dma_start3A_345] : memref<100000x128xf32, #tpu.memory_space<hbm>> -> memref<160x128xf32, #tpu.memory_space<hbm>>
      %dma_start3A_347 = arith.constant 0 : i32
      %dma_start3A_348 = arith.constant 0 : i32
      %dma_start3A_349 = tpu.memref_slice %arg6[%select_n3A_335, %dma_start3A_347, %dma_start3A_348] : memref<4x160x128xf32, #tpu.memory_space<vmem>> -> memref<1x160x128xf32, #tpu.memory_space<vmem>>
      %dma_start3A_350 = tpu.memref_squeeze %dma_start3A_349 : memref<1x160x128xf32, #tpu.memory_space<vmem>> -> memref<160x128xf32, #tpu.memory_space<vmem>>
      tpu.enqueue_dma source(%dma_start3A_350 : memref<160x128xf32, #tpu.memory_space<vmem>>) target(%dma_start3A_346 : memref<160x128xf32, #tpu.memory_space<hbm>>) target_semaphore(%arg9 : memref<!tpu.dma_semaphore, #tpu.memory_space<semaphore_mem>>)
    }
    %while3A_231 = arith.constant 1 : i32
    scf.for %while3A_292 = %while3A_229 to %while3A_225 step %while3A_231  : i32 {
      %mul3A_293 = arith.constant 160 : i32
      %mul3A_294 = arith.muli %while3A_292, %mul3A_293 : i32
      %multiple_of3A_295 = tpu.assume_multiple %mul3A_294, 8 : i32
      %jit3A_296 = arith.constant 4 : i32
      %eq3A_297 = arith.constant 0 : i32
      %eq3A_298 = arith.cmpi eq, %jit3A_296, %eq3A_297 : i32
      %jit3A_299 = arith.constant 1 : i32
      %select_n3A_300 = arith.select %eq3A_298, %jit3A_299, %jit3A_296 : i32
      %rem3A_301 = arith.remsi %while3A_292, %select_n3A_300 : i32
      %ne3A_302 = arith.constant 0 : i32
      %ne3A_303 = arith.cmpi ne, %rem3A_301, %ne3A_302 : i32
      %lt3A_304 = arith.constant 0 : i32
      %lt3A_305 = arith.cmpi slt, %rem3A_301, %lt3A_304 : i32
      %lt3A_306 = arith.constant 0 : i32
      %lt3A_307 = arith.cmpi slt, %select_n3A_300, %lt3A_306 : i32
      %ne3A_308 = arith.xori %lt3A_305, %lt3A_307 : i1
      %and3A_309 = arith.andi %ne3A_308, %ne3A_303 : i1
      %add3A_310 = arith.addi %rem3A_301, %select_n3A_300 : i32
      %select_n3A_311 = arith.select %and3A_309, %add3A_310, %rem3A_301 : i32
      %dma_wait3A_312 = arith.constant 0 : i32
      %dma_wait3A_313 = arith.constant 0 : i32
      %dma_wait3A_314 = tpu.memref_slice %arg6[%select_n3A_311, %dma_wait3A_312, %dma_wait3A_313] : memref<4x160x128xf32, #tpu.memory_space<vmem>> -> memref<1x160x128xf32, #tpu.memory_space<vmem>>
      %dma_wait3A_315 = tpu.memref_squeeze %dma_wait3A_314 : memref<1x160x128xf32, #tpu.memory_space<vmem>> -> memref<160x128xf32, #tpu.memory_space<vmem>>
      %dma_wait3A_316 = tpu.memref_slice %arg5[%multiple_of3A_295] : memref<3200xi32, #tpu.memory_space<vmem>> -> memref<160xi32, #tpu.memory_space<vmem>>
      %dma_wait3A_317 = arith.constant 0 : i32
      %dma_wait3A_318 = arith.constant 0 : i32
      %dma_wait3A_319 = tpu.memref_slice %arg7[%dma_wait3A_317, %dma_wait3A_318] : memref<1000x128xf32, #tpu.memory_space<vmem_shared>> -> memref<1000x128xf32, #tpu.memory_space<vmem_shared>>
      tpu.wait_indirect_dma semaphore(%arg8 : memref<!tpu.dma_semaphore, #tpu.memory_space<semaphore_mem>>) src(%dma_wait3A_319 : memref<1000x128xf32, #tpu.memory_space<vmem_shared>>) dst(%dma_wait3A_315 : memref<160x128xf32, #tpu.memory_space<vmem>>)
      %jit3A_320 = arith.constant 4 : i32
      %eq3A_321 = arith.constant 0 : i32
      %eq3A_322 = arith.cmpi eq, %jit3A_320, %eq3A_321 : i32
      %jit3A_323 = arith.constant 1 : i32
      %select_n3A_324 = arith.select %eq3A_322, %jit3A_323, %jit3A_320 : i32
      %rem3A_325 = arith.remsi %while3A_292, %select_n3A_324 : i32
      %ne3A_326 = arith.constant 0 : i32
      %ne3A_327 = arith.cmpi ne, %rem3A_325, %ne3A_326 : i32
      %lt3A_328 = arith.constant 0 : i32
      %lt3A_329 = arith.cmpi slt, %rem3A_325, %lt3A_328 : i32
      %lt3A_330 = arith.constant 0 : i32
      %lt3A_331 = arith.cmpi slt, %select_n3A_324, %lt3A_330 : i32
      %ne3A_332 = arith.xori %lt3A_329, %lt3A_331 : i1
      %and3A_333 = arith.andi %ne3A_332, %ne3A_327 : i1
      %add3A_334 = arith.addi %rem3A_325, %select_n3A_324 : i32
      %select_n3A_335 = arith.select %and3A_333, %add3A_334, %rem3A_325 : i32
      %add3A_336 = arith.addi %add3A_8, %while3A_292 : i32
      %mul3A_337 = arith.constant 160 : i32
      %mul3A_338 = arith.muli %add3A_336, %mul3A_337 : i32
      %dma_start3A_339 = arith.constant 0 : i32
      %dma_start3A_340 = arith.constant 0 : i32
      %dma_start3A_341 = tpu.memref_slice %arg6[%select_n3A_335, %dma_start3A_339, %dma_start3A_340] : memref<4x160x128xf32, #tpu.memory_space<vmem>> -> memref<1x160x128xf32, #tpu.memory_space<vmem>>
      %dma_start3A_342 = tpu.memref_squeeze %dma_start3A_341 : memref<1x160x128xf32, #tpu.memory_space<vmem>> -> memref<160x128xf32, #tpu.memory_space<vmem>>
      %dma_start3A_343 = arith.constant 0 : i32
      %dma_start3A_344 = tpu.memref_slice %arg4[%mul3A_338, %dma_start3A_343] : memref<100000x128xf32, #tpu.memory_space<hbm>> -> memref<160x128xf32, #tpu.memory_space<hbm>>
      %dma_start3A_345 = arith.constant 0 : i32
      %dma_start3A_346 = tpu.memref_slice %arg4[%mul3A_338, %dma_start3A_345] : memref<100000x128xf32, #tpu.memory_space<hbm>> -> memref<160x128xf32, #tpu.memory_space<hbm>>
      %dma_start3A_347 = arith.constant 0 : i32
      %dma_start3A_348 = arith.constant 0 : i32
      %dma_start3A_349 = tpu.memref_slice %arg6[%select_n3A_335, %dma_start3A_347, %dma_start3A_348] : memref<4x160x128xf32, #tpu.memory_space<vmem>> -> memref<1x160x128xf32, #tpu.memory_space<vmem>>
      %dma_start3A_350 = tpu.memref_squeeze %dma_start3A_349 : memref<1x160x128xf32, #tpu.memory_space<vmem>> -> memref<160x128xf32, #tpu.memory_space<vmem>>
      tpu.enqueue_dma source(%dma_start3A_350 : memref<160x128xf32, #tpu.memory_space<vmem>>) target(%dma_start3A_346 : memref<160x128xf32, #tpu.memory_space<hbm>>) target_semaphore(%arg9 : memref<!tpu.dma_semaphore, #tpu.memory_space<semaphore_mem>>)
    }
    %mul3A_232 = arith.constant 160 : i32
    %mul3A_233 = arith.muli %add3A_8, %mul3A_232 : i32
    %dma_wait3A_234 = arith.constant 0 : i32
    %dma_wait3A_235 = arith.constant 0 : i32
    %dma_wait3A_236 = arith.constant 0 : i32
    %dma_wait3A_237 = tpu.memref_slice %arg6[%dma_wait3A_234, %dma_wait3A_235, %dma_wait3A_236] : memref<4x160x128xf32, #tpu.memory_space<vmem>> -> memref<1x160x128xf32, #tpu.memory_space<vmem>>
    %dma_wait3A_238 = tpu.memref_squeeze %dma_wait3A_237 : memref<1x160x128xf32, #tpu.memory_space<vmem>> -> memref<160x128xf32, #tpu.memory_space<vmem>>
    %dma_wait3A_239 = arith.constant 0 : i32
    %dma_wait3A_240 = tpu.memref_slice %arg4[%mul3A_233, %dma_wait3A_239] : memref<100000x128xf32, #tpu.memory_space<hbm>> -> memref<160x128xf32, #tpu.memory_space<hbm>>
    %dma_wait3A_241 = arith.constant 0 : i32
    %dma_wait3A_242 = tpu.memref_slice %arg4[%mul3A_233, %dma_wait3A_241] : memref<100000x128xf32, #tpu.memory_space<hbm>> -> memref<160x128xf32, #tpu.memory_space<hbm>>
    %dma_wait3A_243 = arith.constant 0 : i32
    %dma_wait3A_244 = arith.constant 0 : i32
    %dma_wait3A_245 = tpu.memref_slice %arg6[%dma_wait3A_234, %dma_wait3A_243, %dma_wait3A_244] : memref<4x160x128xf32, #tpu.memory_space<vmem>> -> memref<1x160x128xf32, #tpu.memory_space<vmem>>
    %dma_wait3A_246 = tpu.memref_squeeze %dma_wait3A_245 : memref<1x160x128xf32, #tpu.memory_space<vmem>> -> memref<160x128xf32, #tpu.memory_space<vmem>>
    tpu.wait_dma2 semaphore(%arg9 : memref<!tpu.dma_semaphore, #tpu.memory_space<semaphore_mem>>) src(%dma_wait3A_246 : memref<160x128xf32, #tpu.memory_space<vmem>>) dst(%dma_wait3A_242 : memref<160x128xf32, #tpu.memory_space<hbm>>)
    %mul3A_247 = arith.constant 160 : i32
    %mul3A_248 = arith.muli %add3A_8, %mul3A_247 : i32
    %dma_wait3A_249 = arith.constant 0 : i32
    %dma_wait3A_250 = arith.constant 0 : i32
    %dma_wait3A_251 = arith.constant 0 : i32
    %dma_wait3A_252 = tpu.memref_slice %arg6[%dma_wait3A_249, %dma_wait3A_250, %dma_wait3A_251] : memref<4x160x128xf32, #tpu.memory_space<vmem>> -> memref<1x160x128xf32, #tpu.memory_space<vmem>>
    %dma_wait3A_253 = tpu.memref_squeeze %dma_wait3A_252 : memref<1x160x128xf32, #tpu.memory_space<vmem>> -> memref<160x128xf32, #tpu.memory_space<vmem>>
    %dma_wait3A_254 = arith.constant 0 : i32
    %dma_wait3A_255 = tpu.memref_slice %arg4[%mul3A_248, %dma_wait3A_254] : memref<100000x128xf32, #tpu.memory_space<hbm>> -> memref<160x128xf32, #tpu.memory_space<hbm>>
    %dma_wait3A_256 = arith.constant 0 : i32
    %dma_wait3A_257 = tpu.memref_slice %arg4[%mul3A_248, %dma_wait3A_256] : memref<100000x128xf32, #tpu.memory_space<hbm>> -> memref<160x128xf32, #tpu.memory_space<hbm>>
    %dma_wait3A_258 = arith.constant 0 : i32
    %dma_wait3A_259 = arith.constant 0 : i32
    %dma_wait3A_260 = tpu.memref_slice %arg6[%dma_wait3A_249, %dma_wait3A_258, %dma_wait3A_259] : memref<4x160x128xf32, #tpu.memory_space<vmem>> -> memref<1x160x128xf32, #tpu.memory_space<vmem>>
    %dma_wait3A_261 = tpu.memref_squeeze %dma_wait3A_260 : memref<1x160x128xf32, #tpu.memory_space<vmem>> -> memref<160x128xf32, #tpu.memory_space<vmem>>
    tpu.wait_dma2 semaphore(%arg9 : memref<!tpu.dma_semaphore, #tpu.memory_space<semaphore_mem>>) src(%dma_wait3A_261 : memref<160x128xf32, #tpu.memory_space<vmem>>) dst(%dma_wait3A_257 : memref<160x128xf32, #tpu.memory_space<hbm>>)
    %mul3A_262 = arith.constant 160 : i32
    %mul3A_263 = arith.muli %add3A_8, %mul3A_262 : i32
    %dma_wait3A_264 = arith.constant 0 : i32
    %dma_wait3A_265 = arith.constant 0 : i32
    %dma_wait3A_266 = arith.constant 0 : i32
    %dma_wait3A_267 = tpu.memref_slice %arg6[%dma_wait3A_264, %dma_wait3A_265, %dma_wait3A_266] : memref<4x160x128xf32, #tpu.memory_space<vmem>> -> memref<1x160x128xf32, #tpu.memory_space<vmem>>
    %dma_wait3A_268 = tpu.memref_squeeze %dma_wait3A_267 : memref<1x160x128xf32, #tpu.memory_space<vmem>> -> memref<160x128xf32, #tpu.memory_space<vmem>>
    %dma_wait3A_269 = arith.constant 0 : i32
    %dma_wait3A_270 = tpu.memref_slice %arg4[%mul3A_263, %dma_wait3A_269] : memref<100000x128xf32, #tpu.memory_space<hbm>> -> memref<160x128xf32, #tpu.memory_space<hbm>>
    %dma_wait3A_271 = arith.constant 0 : i32
    %dma_wait3A_272 = tpu.memref_slice %arg4[%mul3A_263, %dma_wait3A_271] : memref<100000x128xf32, #tpu.memory_space<hbm>> -> memref<160x128xf32, #tpu.memory_space<hbm>>
    %dma_wait3A_273 = arith.constant 0 : i32
    %dma_wait3A_274 = arith.constant 0 : i32
    %dma_wait3A_275 = tpu.memref_slice %arg6[%dma_wait3A_264, %dma_wait3A_273, %dma_wait3A_274] : memref<4x160x128xf32, #tpu.memory_space<vmem>> -> memref<1x160x128xf32, #tpu.memory_space<vmem>>
    %dma_wait3A_276 = tpu.memref_squeeze %dma_wait3A_275 : memref<1x160x128xf32, #tpu.memory_space<vmem>> -> memref<160x128xf32, #tpu.memory_space<vmem>>
    tpu.wait_dma2 semaphore(%arg9 : memref<!tpu.dma_semaphore, #tpu.memory_space<semaphore_mem>>) src(%dma_wait3A_276 : memref<160x128xf32, #tpu.memory_space<vmem>>) dst(%dma_wait3A_272 : memref<160x128xf32, #tpu.memory_space<hbm>>)
    %mul3A_277 = arith.constant 160 : i32
    %mul3A_278 = arith.muli %add3A_8, %mul3A_277 : i32
    %dma_wait3A_279 = arith.constant 0 : i32
    %dma_wait3A_280 = arith.constant 0 : i32
    %dma_wait3A_281 = arith.constant 0 : i32
    %dma_wait3A_282 = tpu.memref_slice %arg6[%dma_wait3A_279, %dma_wait3A_280, %dma_wait3A_281] : memref<4x160x128xf32, #tpu.memory_space<vmem>> -> memref<1x160x128xf32, #tpu.memory_space<vmem>>
    %dma_wait3A_283 = tpu.memref_squeeze %dma_wait3A_282 : memref<1x160x128xf32, #tpu.memory_space<vmem>> -> memref<160x128xf32, #tpu.memory_space<vmem>>
    %dma_wait3A_284 = arith.constant 0 : i32
    %dma_wait3A_285 = tpu.memref_slice %arg4[%mul3A_278, %dma_wait3A_284] : memref<100000x128xf32, #tpu.memory_space<hbm>> -> memref<160x128xf32, #tpu.memory_space<hbm>>
    %dma_wait3A_286 = arith.constant 0 : i32
    %dma_wait3A_287 = tpu.memref_slice %arg4[%mul3A_278, %dma_wait3A_286] : memref<100000x128xf32, #tpu.memory_space<hbm>> -> memref<160x128xf32, #tpu.memory_space<hbm>>
    %dma_wait3A_288 = arith.constant 0 : i32
    %dma_wait3A_289 = arith.constant 0 : i32
    %dma_wait3A_290 = tpu.memref_slice %arg6[%dma_wait3A_279, %dma_wait3A_288, %dma_wait3A_289] : memref<4x160x128xf32, #tpu.memory_space<vmem>> -> memref<1x160x128xf32, #tpu.memory_space<vmem>>
    %dma_wait3A_291 = tpu.memref_squeeze %dma_wait3A_290 : memref<1x160x128xf32, #tpu.memory_space<vmem>> -> memref<160x128xf32, #tpu.memory_space<vmem>>
    tpu.wait_dma2 semaphore(%arg9 : memref<!tpu.dma_semaphore, #tpu.memory_space<semaphore_mem>>) src(%dma_wait3A_291 : memref<160x128xf32, #tpu.memory_space<vmem>>) dst(%dma_wait3A_287 : memref<160x128xf32, #tpu.memory_space<hbm>>)
    return
  }
}

</mosaic_0001>

<sc_bundles>
// kernel: kernel.3.cloned.1.call-start
scs
__scs_entry_jumppad:
0x0: {  	(pc) =	sbr.rel $0x88, $3  }
0x1: {  	(tag) =	ssettag $0x0;
	lr =	simm.s32 $0x1  }
0x2: {  	[smem:$0x3F9F] =	sst lr;
	_ =	strace $0xD0000000  }
0x3: {  	_ = 	snop  }
0x4: {  	_ = 	snop  }
0x5: {  	_ = 	snop  }
0x6: {  	_ = 	snop  }
0x7: {  	_ = 	snop  }
__scs_overlays_trampoline_lowered:
0x8: {  	[smem:$0x3FAE] =	sst s0  }
0x9: {  	[smem:$0x3FAF] =	sst s1  }
0xa: {  	[smem:$0x3FB0] =	sst s2  }
0xb: {  	[smem:$0x3FB1] =	sst s3  }
0xc: {  	[smem:$0x3FB2] =	sst s4  }
0xd: {  	[smem:$0x3FB3] =	sst s5  }
0xe: {  	[smem:$0x3FB4] =	sst s6  }
0xf: {  	[smem:$0x3FB5] =	sst s7  }
0x10: {  	[smem:$0x3FB6] =	sst s8  }
0x11: {  	[smem:$0x3FB7] =	sst s9;
	s0 =	simm.s32 @!p0 $0x0  }
0x12: {  	s1 =	sld [smem:$0x3F9D];
	s0 =	simm.s32 @p0 $0x1  }
0x13: {  	[smem:$0x3FB8] =	sst s0;
	s0 =	simm.s32 @!p1 $0x0  }
0x14: {  	s2 =	sld [smem:$0x3F9C];
	s0 =	simm.s32 @p1 $0x1  }
0x15: {  	[smem:$0x3FB9] =	sst s0;
	s0 =	simm.s32 @!p2 $0x0  }
0x16: {  	s3 =	sld [smem:$0x3FDB];
	s0 =	simm.s32 @p2 $0x1  }
0x17: {  	s4 =	simm.s32 $0x1BF5;
	[smem:$0x3FBB] =	sst s0  }
0x18: {  	s0 =	sld [smem:$0x3F9E];
	_ =	swait.ge [sflag:s4], $0x0  }
0x19: {  	s7 =	sld [smem:$0x3F9F]  }
0x1a: {  	s8 =	sadd.s32 $0xFFFFE003, lr  }
0x1b: {  	s9 =	sadd.s32 $0xFFFFFEF7, lr;
	s5 =	simm.s32 $0xFFFFFFFF;
	p2 =	slt.u32 s8, $0xFFFFF086  }
0x1c: {  	p1 =	slt.u32 s9, $0xF7A;
	s5 =	simm.s32 @!p2 $0x0  }
0x1d: {  	s5 =	simm.s32 @p1 $0x1;
	p0 =	seq.s32 s7, s2  }
0x1e: {  	s7 =	smul.u32 @!p0 $0xF7A, s2;
	p2 =	seq.s32 @!p0 s5, $0x0  }
0x1f: {  	s9 =	smul.u32 $0xF7A, s1;
	s8 =	simm.s32 @!p0 $0x1BF5;
	p2 =	por !p2, p0  }
0x20: {  	[sflag:s8] =	ssyncset.s32 @!p0 $0xFFFFF086;
	s6 =	sadd.s32 @!p0 s3, s7;
	s7 =	simm.s32 @!p0 $0x108  }
0x21: {  	s3 =	sadd.s32 s3, s9;
	s6 =	sadd.s32 @!p0 $0x88, s6;
	s7 =	simm.s32 @p2 $0x1082  }
0x22: {  	[simem:s7], [sflag:s8] =	dma.local @!p0 [hbm:s6], $0xF7A  }
0x23: {  	s9 =	sor.u32 $0xD0000000, s2;
	s6 =	simm.s32 $0x108;
	_ =	swait.ge @!p0 [sflag:s8], $0x0  }
0x24: {  	s3 =	sadd.s32 $0x88, s3;
	s6 =	simm.s32 @!p1 $0x1082;
	[sflag:s4] =	ssyncset.s32 $0xFFFFF086  }
0x25: {  	[simem:s6], [sflag:s4] =	dma.local [hbm:s3], $0xF7A  }
0x26: {  	[smem:$0x3F9F] =	sst s1;
	(tag) =	ssettag s2;
	_ =	strace s9  }
0x27: {  	s1 =	sld [smem:$0x3FAF]  }
0x28: {  	s2 =	sld [smem:$0x3FB0]  }
0x29: {  	s4 =	sld [smem:$0x3FB2]  }
0x2a: {  	p0 =	seq.s32 s5, $0x0;
	s5 =	sld [smem:$0x3FB3]  }
0x2b: {  	s6 =	sld [smem:$0x3FB4]  }
0x2c: {  	s7 =	sld [smem:$0x3FB5]  }
0x2d: {  	s3 =	simm.s32 $0x108;
	s8 =	sld [smem:$0x3FB6]  }
0x2e: {  	s3 =	simm.s32 @!p0 $0x1082;
	s9 =	sld [smem:$0x3FB7]  }
0x2f: {  	lr =	sadd.s32 s0, s3;
	s0 =	sld [smem:$0x3FAE]  }
0x30: {  	s3 =	sld [smem:$0x3FB1]  }
0x31: {  	[smem:$0x3FBA] =	sst s10  }
0x32: {  	s10 =	sld [smem:$0x3FB8];
	_ =	sdelay $0x3  }
0x33: {  	p0 =	seq.s32 s10, $0x1;
	s10 =	sld [smem:$0x3FBA];
	_ =	sdelay $0x3  }
0x34: {  	[smem:$0x3FBA] =	sst s10  }
0x35: {  	s10 =	sld [smem:$0x3FB9];
	_ =	sdelay $0x3  }
0x36: {  	p1 =	seq.s32 s10, $0x1;
	s10 =	sld [smem:$0x3FBA];
	_ =	sdelay $0x3  }
0x37: {  	[smem:$0x3FBA] =	sst s10  }
0x38: {  	s10 =	sld [smem:$0x3FBB]  }
0x39: {  	_ = 	snop;
	(pc) =	sbr.ind lr, $3  }
0x3a: {  	_ = 	snop  }
0x3b: {  	_ = 	snop  }
0x3c: {  	p2 =	seq.s32 s10, $0x1;
	s10 =	sld [smem:$0x3FBA]  }
0x3d: {  	_ =	shalt  }
0x3e: {  	_ =	shalt  }
0x3f: {  	_ =	shalt  }
0x40: {  	_ =	shalt  }
0x41: {  	_ =	shalt  }
0x42: {  	_ =	shalt  }
0x43: {  	_ =	shalt  }
0x44: {  	_ =	shalt  }
0x45: {  	_ =	shalt  }
0x46: {  	_ =	shalt  }
0x47: {  	_ =	shalt  }
0x48: {  	_ =	shalt  }
0x49: {  	_ =	shalt  }
0x4a: {  	_ =	shalt  }
0x4b: {  	_ =	shalt  }
0x4c: {  	_ =	shalt  }
0x4d: {  	_ =	shalt  }
0x4e: {  	_ =	shalt  }
0x4f: {  	_ =	shalt  }
0x50: {  	_ =	shalt  }
0x51: {  	_ =	shalt  }
0x52: {  	_ =	shalt  }
0x53: {  	_ =	shalt  }
0x54: {  	_ =	shalt  }
0x55: {  	_ =	shalt  }
0x56: {  	_ =	shalt  }
0x57: {  	_ =	shalt  }
0x58: {  	_ =	shalt  }
0x59: {  	_ =	shalt  }
0x5a: {  	_ =	shalt  }
0x5b: {  	_ =	shalt  }
0x5c: {  	_ =	shalt  }
0x5d: {  	_ =	shalt  }
0x5e: {  	_ =	shalt  }
0x5f: {  	_ =	shalt  }
0x60: {  	_ =	shalt  }
0x61: {  	_ =	shalt  }
0x62: {  	_ =	shalt  }
0x63: {  	_ =	shalt  }
0x64: {  	_ =	shalt  }
0x65: {  	_ =	shalt  }
0x66: {  	_ =	shalt  }
0x67: {  	_ =	shalt  }
0x68: {  	_ =	shalt  }
0x69: {  	_ =	shalt  }
0x6a: {  	_ =	shalt  }
0x6b: {  	_ =	shalt  }
0x6c: {  	_ =	shalt  }
0x6d: {  	_ =	shalt  }
0x6e: {  	_ =	shalt  }
0x6f: {  	_ =	shalt  }
0x70: {  	_ =	shalt  }
0x71: {  	_ =	shalt  }
0x72: {  	_ =	shalt  }
0x73: {  	_ =	shalt  }
0x74: {  	_ =	shalt  }
0x75: {  	_ =	shalt  }
0x76: {  	_ =	shalt  }
0x77: {  	_ =	shalt  }
0x78: {  	_ =	shalt  }
0x79: {  	_ =	shalt  }
0x7a: {  	_ =	shalt  }
0x7b: {  	_ =	shalt  }
0x7c: {  	_ =	shalt  }
0x7d: {  	_ =	shalt  }
0x7e: {  	_ =	shalt  }
0x7f: {  	_ =	shalt  }
0x80: {  	_ =	shalt  }
0x81: {  	_ =	shalt  }
0x82: {  	_ =	shalt  }
0x83: {  	_ =	shalt  }
0x84: {  	_ =	shalt  }
0x85: {  	_ =	shalt  }
0x86: {  	_ =	shalt  }
0x87: {  	_ =	shalt  }
.Lfunc_end0:
.L_simem_size_0:
called_computation_lowered:
.L_overlay_start_0:
0x88: {  	s2 =	sld [smem:$0x3FD9]  }
0x89: {  	s3 =	sld [smem:$0x3FFE];
	_ =	sdelay $0x1  }
0x8a: {  	s1 =	srdreg.scid  }
0x8b: {  	s0 =	sand.u32 $0x1, s1  }
0x8c: {  	s18 =	sshll.u32 s0, $0xA;
	s2 =	sadd.s32 s3, s2  }
0x8d: {  	s2 =	sadd.s32 s2, s18  }
0x8e: {  	[smem:$0x3FC6] =	sst s2  }
0x8f: {  	_ = 	snop  }
0x90: {  	s2 =	sld [smem:$0x3FC9]  }
0x91: {  	s19 =	sld [smem:$0x3FC8]  }
0x92: {  	s4 =	sld [smem:$0x3FD0];
	(tm) =	ssettm $0x1  }
0x93: {  	s5 =	sld [smem:$0x3FFB];
	_ =	sdelay $0x3  }
0x94: {  	_ =	strace s5  }
0x95: {  	s5 =	sld [smem:$0x3FFC];
	_ =	sdelay $0x3  }
0x96: {  	_ =	strace s5  }
0x97: {  	s5 =	sld [smem:$0x3FFD];
	_ =	sdelay $0x3  }
0x98: {  	_ =	strace s5  }
0x99: {  	_ =	strace $0x8FFFFFFF  }
0x9a: {  	s20 =	sld [smem:$0x3FDB];
	_ =	sdelay $0x1  }
0x9b: {  	s6 =	simm.s32 $_scs_section_size  }
0x9c: {  	s7 =	simm.s32 $_size__tile_overlayer_lowered;
	s8 =	simm.s32 $_tile_overlayer_lowered  }
0x9d: {  	s23 =	simm.s32 $0x1BFF;
	s22 =	sshll.u32 s8, $0x1;
	s5 =	sadd.s32 s6, s20  }
0x9e: {  	s9 =	simm.s32 $0x0;
	s21 =	sshll.u32 s7, $0x1;
	s7 =	sadd.s32 s22, s5  }
0x9f: {  	[timem:s9], [sflag:s23] =	dma.local [hbm:s7], s21  }
0xa0: {  	_ =	swait.ge [sflag:s23], s21  }
0xa1: {  	s6 =	ssub.s32 $0x0, s21;
	[sflag:s23] =	ssyncset.done $0x0  }
0xa2: {  	[sflag:s23] =	ssyncadd.s32 s6;
	_ =	sdelay $0x1  }
0xa3: {  	s24 =	simm.s32 $0x1B8B  }
0xa4: {  	_ =	swait.ge [sflag:s24], $0x1  }
0xa5: {  	[sflag:s24] =	ssyncset.done $0x0  }
0xa6: {  	s25 =	simm.s32 $0x1B8E;
	[sflag:s24] =	ssyncadd.s32 $0xFFFFFFFF  }
0xa7: {  	s26 =	simm.s32 $execute0_lowered;
	[smem:$0x3FD2] =	sst s25  }
0xa8: {  	s6 =	sshll.u32 s26, $0x1;
	_ =	strace $0x80000046;
	[dreg:$0x1] =	wrdreg $0xFFFFFFFF  }
0xa9: {  	s28 =	simm.s32 $_size_execute0_lowered;
	s5 =	sadd.s32 s5, s6;
	[dreg:$0x0] =	wrdreg $0x0  }
0xaa: {  	s6 =	sshll.u32 s28, $0x1;
	[dreg:$0x2] =	wrdreg s5  }
0xab: {  	[dreg:$0x3] =	wrdreg s6  }
0xac: {  	[dreg:$0x4] =	wrdreg $0xC0  }
0xad: {  	_ =	task [dreg:s9], $0x5FFFF  }
0xae: {  	[dreg:$0x1] =	wrdreg $0xFFFFFFFF  }
0xaf: {  	[dreg:$0x0] =	wrdreg $0x60  }
0xb0: {  	[dreg:$0x2] =	wrdreg s2  }
0xb1: {  	[dreg:$0x3] =	wrdreg s19  }
0xb2: {  	[dreg:$0x4] =	wrdreg s4  }
0xb3: {  	[dreg:$0x5] =	wrdreg $0x14C800  }
0xb4: {  	[dreg:$0x6] =	wrdreg $0x9  }
0xb5: {  	_ =	task.clear_ibuf [dreg:s9], $0x7FFFF;
	_ =	strace $0x90000046  }
0xb6: {  	s29 =	simm.s32 $0x9;
	_ =	strace $0x80000048  }
0xb7: {  	_ =	swait.ge [sflag:s29], $0x1  }
0xb8: {  	[sflag:s29] =	ssyncadd.s32 $0xFFFFFFFF  }
0xb9: {  	_ =	strace $0x90000048  }
0xba: {  	_ =	sfence  }
0xbb: {  	s30 =	sld [smem:$0x0];
	_ =	sdelay $0x2  }
0xbc: {  	s31 =	sshll.u32 s1, $0xD;
	s1 =	sshrl.u32 s1, $0x2  }
0xbd: {  	s3 =	sand.u32 $0x4000, s31;
	s1 =	sadd.s32 s1, s30  }
0xbe: {  	s0 =	sor.u32 s3, s0;
	s1 =	sshll.u32 s1, $0x11  }
0xbf: {  	s0 =	sor.u32 s1, s0  }
0xc0: {  	s0 =	sadd.s32 $0x8F2B, s0  }
0xc1: {  	[sflag:s0] =	ssyncadd.remote.s32 $0x1  }
0xc2: {  	_ =	sfence.sel $0xFFFF  }
0xc3: {  	[dreg:$0x0] =	wrdreg $0xFFFFFFFF;
	(pc) =	sbr.abs _section_cstart, $3  }
0xc4: {  	[dreg:$0x1] =	wrdreg $0xFFFFFFFF  }
0xc5: {  	_ =	task.clear_ibuf [dreg:s9], $0x2FFFF;
	_ =	strace $0x9FFFFFFF  }
0xc6: {  	(tm) =	ssettm $0x7FFFFFFF  }
0xc7: {  	_ =	shalt  }
tec
execute0_lowered:
.L_overlay_start_1:
0x0: {  	(tag) =	ssettag $0x1  }
0x1: {  	s7 =	rddreg [dreg:$0x0]  }
0x2: {  	s1 =	srdreg.scid;
	s0 =	rddreg [dreg:$0x1]  }
0x3: {  	s11 =	stileid.u32;
	s2 =	rddreg [dreg:$0x2]  }
0x4: {  	s3 =	rddreg [dreg:$0x3];
	s4 =	simm.s32 $0x0;
	s19 =	simm.s32 $0x140  }
0x5: {  	s20 =	simm.s32 $0xAC80;
	s21 =	simm.s32 $0x1E0;
	s22 =	simm.s32 $0xFC80  }
0x6: {  	s23 =	simm.s32 $0x2;
	s24 =	simm.s32 $0x0;
	s29 =	smul.u32 $0x17C00, s11  }
0x7: {  	s12 =	sand.u32 $0x1, s1;
	s25 =	sshll.u32 s11, $0x1;
	s18 =	smul.u32 $0x26, s11  }
0x8: {  	[smem:$0x7FF] =	sst s4;
	s14 =	sor.u32 s12, s25;
	s17 =	smul.u32 $0xBE00, s12  }
0x9: {  	s6 =	ssub.s32 $0x2, s12;
	_ =	strace $0x80000047;
	s5 =	smul.u32 $0x13, s14  }
0xa: {  	s12 =	smul.u32 $0x13, s12;
	s13 =	smin.u32 s14, $0x11;
	s26 =	sshrl.u32 s6, $0x1  }
0xb: {  	p0 =	slt.u32 s14, $0x11;
	s31 =	smul.u32 $0xA00, s13;
	s8 =	sadd.s32 s13, s5  }
0xc: {  	p1 =	sgt.u32 s14, $0x10;
	s14 =	simm.s32 $0x3;
	s9 =	smul.u32 $0x14, s8  }
0xd: {  	s10 =	ssub.s32 s6, s26;
	s5 =	simm.s32 $0x14;
	s28 =	smul.u32 $0xA0, s8  }
0xe: {  	s10 =	smax.u32 s10, $0x1;
	s13 =	sadd.s32 s18, s13;
	s15 =	smul.u32 $0xA00, s8  }
0xf: {  	s5 =	simm.s32 @!p0 $0x13;
	s8 =	smul.u32 $0x5000, s8;
	p0 =	sne.s32 s11, $0x0  }
0x10: {  	s18 =	simm.s32 $0x1;
	s12 =	sadd.s32 s12, s13;
	s13 =	sshrl.u32 @!p0 s3, $0x3  }
0x11: {  	s16 =	sshrl.u32 s28, $0x3;
	s6 =	sadd.s32 s7, s9;
	s30 =	sshrl.u32 s8, $0x3  }
0x12: {  	s8 =	sadd.s32 s2, s15;
	s7 =	sadd.s32 s7, s16;
	s16 =	sadd.s32 s29, s2  }
0x13: {  	s9 =	sadd.s32 s2, s30;
	s7 =	sadd.s32 $0x17C, s7;
	s16 =	sadd.s32 s17, s16  }
0x14: {  	s9 =	sadd.s32 $0xA00, s9;
	s17 =	simm.s32 $0x5C80;
	s15 =	sadd.s32 s31, s16  }
0x15: {  	s16 =	simm.s32 $0xC80;
	s11 =	sadd.s32 $0x1400, s15;
	s15 =	simm.s32 $0xA0  }
.LBB2_1:
0x16: {  	s25 =	simm.s32 @!p0 $0x1C03  }
0x17: {  	[spmem:s13], [sflag:s25] =	dma.local @!p0 [hbm:s0], $0x3E80  }
0x18: {  	s25 =	simm.s32 @!p0 $0x3  }
0x19: {  	_ =	swait.ge @!p0 [sflag:s25], $0x3E80  }
0x1a: {  	[sflag:s25] =	ssyncset.done @!p0 $0x0  }
0x1b: {  	[sflag:s25] =	ssyncadd.s32 @!p0 $0xFFFFC180  }
0x1c: {  	[tilespmem:s4], [sflag:$0x3] =	stream.linear.gather [hbm4b:s6+s4], $0xBE0, $0x38;
	[tilespmem:$0x16BC0] =	vst v63  }
0x1d: {  	_ =	swait.ge [sflag:s14], $0xBE0  }
0x1e: {  	[sflag:s14] =	ssyncset.done $0x0  }
0x1f: {  	s26 =	simm.s32 @!p1 $0xBE0;
	s25 =	simm.s32 @!p1 $0x0;
	[sflag:s14] =	ssyncadd.s32 $0xFFFFF420  }
0x20: {  	[tilespmem:s26], [sflag:$0x3] =	stream.linear.gather @!p1 [hbm4b:s7+s25], $0xA0, $0x38;
	[tilespmem:$0x16BC0] =	vst v63  }
0x21: {  	s25 =	simm.s32 @!p1 $0x3  }
0x22: {  	_ =	swait.ge @!p1 [sflag:s25], $0xA0  }
0x23: {  	[sflag:s25] =	ssyncset.done @!p1 $0x0  }
0x24: {  	[sflag:s25] =	ssyncadd.s32 @!p1 $0xFFFFFF60  }
0x25: {  	[bflag:$0x0] =	sbarrier.arrive $0xFFFF  }
0x26: {  	[tilespmem:s16], [sflag:$0x1] =	stream.indirect.gather [spmem:s3], $0x80, s4, s15, $0xb8;
	[tilespmem:$0x16BC0] =	vst v63  }
0x27: {  	_ = 	snop  }
0x28: {  	[tilespmem:s17], [sflag:$0x1] =	stream.indirect.gather [spmem:s3], $0x80, s15, s15, $0xb8;
	[tilespmem:$0x16BC0] =	vst v63  }
0x29: {  	_ =	swait.ge [sflag:s18], $0x5000  }
0x2a: {  	[sflag:s18] =	ssyncset.done $0x0  }
0x2b: {  	[sflag:s18] =	ssyncadd.s32 $0xFFFFB000  }
0x2c: {  	[hbm4b:s8+s4] =	stream.linear.scatter [tilespmem:s16], [sflag:$0x2], $0x5000, $0x38;
	[tilespmem:$0x16BC0] =	vst v63  }
0x2d: {  	_ = 	snop  }
0x2e: {  	[tilespmem:s20], [sflag:$0x1] =	stream.indirect.gather [spmem:s3], $0x80, s19, s15, $0xb8;
	[tilespmem:$0x16BC0] =	vst v63  }
0x2f: {  	_ =	swait.ge [sflag:s18], $0x5000  }
0x30: {  	[sflag:s18] =	ssyncset.done $0x0  }
0x31: {  	[sflag:s18] =	ssyncadd.s32 $0xFFFFB000  }
0x32: {  	[hbm4b:s9+s4] =	stream.linear.scatter [tilespmem:s17], [sflag:$0x2], $0x5000, $0x38;
	[tilespmem:$0x16BC0] =	vst v63  }
0x33: {  	s1 =	sand.u32 $0x3, s23  }
0x34: {  	[tilespmem:s22], [sflag:$0x1] =	stream.indirect.gather [spmem:s3], $0x80, s21, s15, $0xb8;
	[tilespmem:$0x16BC0] =	vst v63  }
0x35: {  	s28 =	simm.s32 $0x4;
	s25 =	simm.s32 @!p1 $0x12;
	_ =	swait.ge [sflag:s23], $0x5000  }
0x36: {  	s30 =	simm.s32 $0x280;
	s25 =	simm.s32 @p1 $0x11;
	[sflag:s23] =	ssyncset.done $0x0  }
0x37: {  	s26 =	smul.u32 $0x14000, s1;
	p2 =	sne.s32 s25, $0x3;
	[sflag:s23] =	ssyncadd.s32 $0xFFFFB000  }
.Ltmp0:
0x38: {  	s28 =	sand.u32 $0x3, s28;
	_ =	swait.ge [sflag:s18], $0x5000;
	(pc) =	sbr.rel @!p2 .LBB2_3-.Ltmp0, $4  }
0x39: {  	s29 =	smul.u32 $0x14000, s28;
	s26 =	sshrl.u32 s26, $0x2;
	[sflag:s18] =	ssyncset.done $0x0  }
0x3a: {  	s28 =	simm.s32 $0x280;
	s26 =	sor.u32 $0xC80, s26;
	[sflag:s18] =	ssyncadd.s32 $0xFFFFB000  }
0x3b: {  	[hbm4b:s11+s4] =	stream.linear.scatter [tilespmem:s26], [sflag:$0x2], $0x5000, $0x38;
	[tilespmem:$0x16BC0] =	vst v63  }
0x3c: {  	s31 =	sshrl.u32 s29, $0x2;
	s29 =	sadd.s32 $0xA00, s11;
	s26 =	simm.s32 $0x3  }
.LBB2_2:
0x3d: {  	s31 =	sor.u32 $0xC80, s31  }
0x3e: {  	s30 =	sadd.s32 $0xA0, s30;
	s1 =	smov.u32 s26;
	s26 =	sadd.s32 $0x1, s26  }
0x3f: {  	[tilespmem:s31], [sflag:$0x1] =	stream.indirect.gather [spmem:s3], $0x80, s28, s15, $0xb8;
	[tilespmem:$0x16BC0] =	vst v63  }
0x40: {  	p2 =	sne.s32 s25, s26;
	s28 =	smov.u32 s30;
	_ =	swait.ge [sflag:s23], $0x5000  }
0x41: {  	s31 =	sand.u32 $0x3, s1;
	[sflag:s23] =	ssyncset.done $0x0  }
0x42: {  	s1 =	sadd.s32 $0x2, s1;
	s31 =	smul.u32 $0x14000, s31;
	[sflag:s23] =	ssyncadd.s32 $0xFFFFB000  }
.Ltmp1:
0x43: {  	s1 =	sand.u32 $0x3, s1;
	_ =	swait.ge [sflag:s18], $0x5000;
	(pc) =	sbr.rel @p2 .LBB2_2-.Ltmp1, $4  }
0x44: {  	s1 =	smul.u32 $0x14000, s1;
	s31 =	sshrl.u32 s31, $0x2;
	[sflag:s18] =	ssyncset.done $0x0  }
0x45: {  	s31 =	sor.u32 $0xC80, s31;
	[sflag:s18] =	ssyncadd.s32 $0xFFFFB000  }
0x46: {  	[hbm4b:s29+s4] =	stream.linear.scatter [tilespmem:s31], [sflag:$0x2], $0x5000, $0x38;
	[tilespmem:$0x16BC0] =	vst v63  }
0x47: {  	s31 =	sshrl.u32 s1, $0x2;
	s29 =	sadd.s32 $0xA00, s29  }
.LBB2_3:
0x48: {  	s1 =	sor.u32 $0xC80, s31  }
0x49: {  	s30 =	sadd.s32 s25, s12;
	s26 =	sand.u32 $0x3, s25;
	s25 =	sadd.s32 $0x1, s25  }
0x4a: {  	[tilespmem:s1], [sflag:$0x1] =	stream.indirect.gather [spmem:s3], $0x80, s28, s15, $0xb8;
	[tilespmem:$0x16BC0] =	vst v63  }
0x4b: {  	s1 =	smul.u32 $0xA00, s30;
	p2 =	slt.u32 s25, s5  }
.Ltmp2:
0x4c: {  	_ = 	snop;
	(pc) =	sbr.rel @!p2 .LBB2_5-.Ltmp2, $4  }
0x4d: {  	s28 =	smul.u32 $0x14000, s26  }
0x4e: {  	_ =	swait.ge [sflag:s18], $0x5000  }
0x4f: {  	s26 =	sadd.s32 s1, s2;
	[sflag:s18] =	ssyncset.done $0x0;
	s31 =	sshrl.u32 s28, $0x2  }
0x50: {  	[sflag:s18] =	ssyncadd.s32 $0xFFFFB000;
	s29 =	sor.u32 $0xC80, s31;
	s28 =	sadd.s32 $0xA00, s26  }
.LBB2_4:
0x51: {  	[hbm4b:s26+s4] =	stream.linear.scatter [tilespmem:s29], [sflag:$0x2], $0x5000, $0x38;
	[tilespmem:$0x16BC0] =	vst v63  }
0x52: {  	s1 =	sand.u32 $0x3, s25;
	s25 =	sadd.s32 $0x1, s25  }
0x53: {  	p2 =	slt.u32 s25, s5  }
.Ltmp3:
0x54: {  	(pc) =	sbr.rel @p2 .LBB2_4-.Ltmp3, $4  }
0x55: {  	s26 =	smov.u32 s28;
	s1 =	smul.u32 $0x14000, s1  }
0x56: {  	_ =	swait.ge [sflag:s18], $0x5000  }
0x57: {  	s1 =	sshrl.u32 s1, $0x2;
	[sflag:s18] =	ssyncset.done $0x0  }
0x58: {  	s28 =	sadd.s32 $0xA00, s28;
	s29 =	sor.u32 $0xC80, s1;
	[sflag:s18] =	ssyncadd.s32 $0xFFFFB000  }
.LBB2_5:
0x59: {  	[hbm4b:s26+s4] =	stream.linear.scatter [tilespmem:s29], [sflag:$0x2], $0x5000, $0x38;
	[tilespmem:$0x16BC0] =	vst v63  }
0x5a: {  	_ =	swait.ge [sflag:s23], $0x5000  }
0x5b: {  	[sflag:s23] =	ssyncset.done $0x0  }
0x5c: {  	[sflag:s23] =	ssyncadd.s32 $0xFFFFB000  }
0x5d: {  	_ =	swait.ge [sflag:s23], $0x5000  }
0x5e: {  	[sflag:s23] =	ssyncset.done $0x0  }
0x5f: {  	s24 =	sadd.s32 $0x1, s24;
	[sflag:s23] =	ssyncadd.s32 $0xFFFFB000  }
0x60: {  	p2 =	sne.s32 s24, s10;
	_ =	swait.ge [sflag:s23], $0x5000  }
.Ltmp4:
0x61: {  	[sflag:s23] =	ssyncset.done $0x0;
	(pc) =	sbr.rel @p2 .LBB2_1-.Ltmp4, $4  }
0x62: {  	[sflag:s23] =	ssyncadd.s32 $0xFFFFB000  }
0x63: {  	_ =	swait.ge [sflag:s23], $0x5000  }
0x64: {  	[sflag:s23] =	ssyncset.done $0x0  }
0x65: {  	[sflag:s23] =	ssyncadd.s32 $0xFFFFB000  }
0x66: {  	_ =	sfence.sel $0x180000  }
0x67: {  	[bflag:$0x0] =	sbarrier.arrive $0xFFFF  }
0x68: {  	_ =	strace $0x90000047  }
0x69: {  	[bflag:$0x2] =	sbarrier.arrive $0xFFFF  }
0x6a: {  	s0 =	rddreg [dreg:$0x4]  }
0x6b: {  	s0 =	sadd.s32 @!p0 $0x100000, s0  }
0x6c: {  	[sflag:s0] =	ssyncadd.tile.s32 @!p0 $0x1;
	_ =	shalt  }
.Lfunc_end2:
_tile_overlayer_lowered:
.L_overlay_start_2:
0x6d: {  	(tag) =	ssettag $0x2  }
0x6e: {  	s0 =	rddreg [dreg:$0x0];
	s2 =	stileid.u32  }
0x6f: {  	s1 =	rddreg [dreg:$0x1];
	p0 =	sne.s32 s2, $0x0  }
0x70: {  	s3 =	rddreg [dreg:$0x2];
	[bflag:$0x3] =	sbarrier.arrive $0xFFFF;
	s2 =	simm.s32 @!p0 $0x1C03  }
0x71: {  	[timem:s3], [sflag:s2] =	dma.local @!p0 [hbm:s0], s1  }
0x72: {  	s0 =	simm.s32 @!p0 $0x3  }
0x73: {  	_ =	swait.ge @!p0 [sflag:s0], s1  }
0x74: {  	s1 =	ssub.s32 @!p0 $0x0, s1;
	[sflag:s0] =	ssyncset.done @!p0 $0x0  }
0x75: {  	[sflag:s0] =	ssyncadd.s32 @!p0 s1  }
0x76: {  	[bflag:$0x3] =	sbarrier.arrive $0xFFFF  }
0x77: {  	_ =	shalt  }

</sc_bundles>
